<compile_context>
chip_gen: v7x
topology: tpu7x:2x2x1
jax: 0.10.2.dev20260603
libtpu: 0.0.44.dev20260713+nightly
codegen_flags: <defaults>
</compile_context>

<pallas_src>
import functools

import jax
import jax.numpy as jnp
import numpy as np
from jax import lax
from jax.experimental import pallas as pl
from jax.experimental.pallas import tpu as pltpu
from jax.experimental.pallas import tpu_sc as plsc

N = 10000
K = 10
H = 64
OUT_DIM = 3

NPAD = 10240
NB = 512
NSTEPS = NPAD // NB
CPAD = 10112
QB = 128
E_PAD = K * NPAD

SC_NC = 2
SC_NS = 16
SC_NW = SC_NC * SC_NS
E_PER_W = E_PAD // SC_NW
SC_CHUNK = 128
SC_NCHUNK = E_PER_W // SC_CHUNK

FREQS = ((1.0 / 10000.0) ** (np.arange(4, dtype=np.float32) /
                             np.float32(4.0))).astype(np.float32)


def _pe8(col):
    ang = jnp.concatenate([col * float(FREQS[i]) for i in range(4)], axis=1)
    return jnp.concatenate([jnp.cos(ang), jnp.sin(ang)], axis=1)


def _prep_body(im_ref, ind_ref, outd_ref, inp0_ref,
               wl_ref, bl_ref, wt1_ref, bt1_ref, wt2_ref, bt2_ref,
               ing_ref, table_ref, tout_ref):
    im = im_ref[...]
    ing = im + ind_ref[...]
    outg = im + outd_ref[...]
    ing_ref[...] = ing

    in_pe = jnp.concatenate([_pe8(ing[:, 0:1]), _pe8(ing[:, 1:2])], axis=1)
    in_data = jnp.concatenate([inp0_ref[...], in_pe], axis=1)
    f = jnp.dot(in_data, wl_ref[...],
                preferred_element_type=jnp.float32) + bl_ref[...]
    table_ref[...] = jnp.concatenate(
        [f, ing, jnp.zeros((ing.shape[0], 62), jnp.float32)], axis=1)

    out_pe = jnp.concatenate([_pe8(outg[:, 0:1]), _pe8(outg[:, 1:2])], axis=1)
    grid_pe = jnp.concatenate([outg, out_pe], axis=1)
    t1 = jnp.maximum(jnp.dot(grid_pe, wt1_ref[...],
                             preferred_element_type=jnp.float32) + bt1_ref[...], 0.0)
    t2 = jnp.maximum(jnp.dot(t1, wt2_ref[...],
                             preferred_element_type=jnp.float32) + bt2_ref[...], 0.0)
    tout_ref[...] = t2


GW = 8
NG = CPAD // GW


def _knn_body(qx_ref, qy_ref, px_ref, py_ref, pxr_ref, pyr_ref, out_ref):
    BIGI = jnp.int32(2 ** 30)
    INF = jnp.float32(np.inf)
    qx = qx_ref[...]
    qy = qy_ref[...]
    dx = qx - px_ref[...]
    dy = qy - py_ref[...]
    d = dx * dx + dy * dy
    m_arr = d[:, 0:NG]
    for m in range(1, GW):
        m_arr = jnp.minimum(m_arr, d[:, m * NG:(m + 1) * NG])
    gcols = lax.broadcasted_iota(jnp.int32, (QB, NG), 1)
    gids = []
    for _ in range(K):
        mn = jnp.min(m_arr, axis=1, keepdims=True)
        gid = jnp.min(jnp.where(m_arr == mn, gcols, BIGI),
                      axis=1, keepdims=True)
        gids.append(gid)
        m_arr = jnp.where(gcols == gid, INF, m_arr)
    offs = lax.broadcasted_iota(jnp.int32, (QB, GW), 1)
    cpx, cpy, ccol = [], [], []
    for t in range(K):
        mask = (gcols == gids[t]).astype(jnp.float32)
        cpx.append(jnp.dot(mask, pxr_ref[...],
                           preferred_element_type=jnp.float32,
                           precision=lax.Precision.HIGHEST))
        cpy.append(jnp.dot(mask, pyr_ref[...],
                           preferred_element_type=jnp.float32,
                           precision=lax.Precision.HIGHEST))
        ccol.append(gids[t] + offs * NG)
    cand_px = jnp.concatenate(cpx, axis=1)
    cand_py = jnp.concatenate(cpy, axis=1)
    ccols = jnp.concatenate(ccol, axis=1)
    ddx = qx - cand_px
    ddy = qy - cand_py
    dc = ddx * ddx + ddy * ddy
    idxs = []
    for _ in range(K):
        mn = jnp.min(dc, axis=1, keepdims=True)
        idx = jnp.min(jnp.where(dc == mn, ccols, BIGI),
                      axis=1, keepdims=True)
        idxs.append(idx)
        dc = jnp.where(ccols == idx, INF, dc)
    idxs.append(jnp.zeros((QB, 16 - K), jnp.int32))
    out_ref[...] = jnp.concatenate(idxs, axis=1)


def _edge_body(g_ref, ing_ref, wk1_ref, bk1_ref, wk2_ref, bk2_ref,
               wp_ref, bp_ref, lng_ref, lnb_ref, bn_ref):
    y = ing_ref[...]
    acc = jnp.zeros((NB, H), jnp.float32)
    for kk in range(K):
        gk = g_ref[kk]
        fnb = gk[:, 0:H]
        xnb = gk[:, H:H + 2]
        edge = jnp.concatenate([y, xnb], axis=1)
        h = jax.nn.gelu(jnp.dot(edge, wk1_ref[...],
                                preferred_element_type=jnp.float32) + bk1_ref[...])
        kern = jnp.dot(h, wk2_ref[...],
                       preferred_element_type=jnp.float32) + bk2_ref[...]
        acc = acc + kern * fnb
    agg = acc / jnp.float32(K)
    gout = jnp.dot(agg, wp_ref[...],
                   preferred_element_type=jnp.float32) + bp_ref[...]
    mu = jnp.mean(gout, axis=1, keepdims=True)
    xc = gout - mu
    var = jnp.mean(xc * xc, axis=1, keepdims=True)
    bn_ref[...] = xc / jnp.sqrt(var + 1e-5) * lng_ref[...] + lnb_ref[...]


def _branch_body(x_ref, w_ref, b_ref, out_ref):
    @pl.when(pl.program_id(0) == 0)
    def _():
        out_ref[...] = b_ref[...]
    out_ref[...] += jnp.dot(x_ref[...], w_ref[...],
                            preferred_element_type=jnp.float32)


def _final_body(t_ref, bout_ref, bias_ref, out_ref):
    t = t_ref[...]
    bs = bout_ref[...] * jnp.float32(0.125)
    cols = []
    for c in range(OUT_DIM):
        s = jnp.sum(t[:, H * c:H * (c + 1)] * bs, axis=1, keepdims=True)
        cols.append(s + bias_ref[0:1, c:c + 1])
    cols.append(jnp.zeros((NB, 1), jnp.float32))
    out_ref[...] = jnp.concatenate(cols, axis=1)


SC_NBUF = 5
SC_OUTER = SC_NCHUNK // SC_NBUF


def _sc_gather_body(table_hbm, idx_hbm, out_hbm, *rest):
    idx_bufs = rest[:SC_NBUF]
    row_bufs = rest[SC_NBUF:2 * SC_NBUF]
    gsem, wsem = rest[2 * SC_NBUF], rest[2 * SC_NBUF + 1]
    wid = lax.axis_index("s") * SC_NC + lax.axis_index("c")

    def body(j, carry):
        def base(b):
            return pl.multiple_of(
                wid * E_PER_W + (j * SC_NBUF + b) * SC_CHUNK, 8)
        for b in range(SC_NBUF):
            pltpu.sync_copy(idx_hbm.at[pl.ds(base(b), SC_CHUNK)], idx_bufs[b])
        gh = [pltpu.async_copy(table_hbm.at[idx_bufs[b]], row_bufs[b], gsem)
              for b in range(SC_NBUF)]
        for b in range(SC_NBUF):
            gh[b].wait()
        wh = [pltpu.async_copy(
                  row_bufs[b], out_hbm.at[pl.ds(base(b), SC_CHUNK)], wsem)
              for b in range(SC_NBUF)]
        for b in range(SC_NBUF):
            wh[b].wait()
        return carry

    lax.fori_loop(0, SC_OUTER, body, 0)


def _sc_gather(table, idx_flat):
    fn = pl.kernel(
        _sc_gather_body,
        mesh=plsc.VectorSubcoreMesh(core_axis_name="c", subcore_axis_name="s",
                                    num_cores=SC_NC, num_subcores=SC_NS),
        out_type=jax.ShapeDtypeStruct((E_PAD, 128), jnp.float32),
        scratch_types=(
            [pltpu.VMEM((SC_CHUNK,), jnp.int32) for _ in range(SC_NBUF)]
            + [pltpu.VMEM((SC_CHUNK, 128), jnp.float32)
               for _ in range(SC_NBUF)]
            + [pltpu.SemaphoreType.DMA, pltpu.SemaphoreType.DMA]
        ),
    )
    return fn(table, idx_flat)


def _pad_rows(a, rows):
    return jnp.concatenate(
        [a, jnp.zeros((rows - a.shape[0],) + a.shape[1:], a.dtype)], axis=0)


def kernel(inp, out_grid_displacement, in_grid_displacement, initial_mesh,
           W_lift, b_lift, W_k1, b_k1, W_k2, b_k2, W_proj, b_proj,
           ln_g, ln_b, W_branch, b_branch, W_t1, b_t1, W_t2, b_t2, bias):
    f32 = jnp.float32
    im = _pad_rows(initial_mesh, NPAD)
    ind = _pad_rows(in_grid_displacement, NPAD)
    outd = _pad_rows(out_grid_displacement, NPAD)
    inp0 = _pad_rows(inp[0], NPAD)

    row = lambda v: v.reshape(1, -1)

    NBA = 512
    ing_p, table, tout = pl.pallas_call(
        _prep_body,
        grid=(NPAD // NBA,),
        in_specs=[
            pl.BlockSpec((NBA, 2), lambda j: (j, 0)),
            pl.BlockSpec((NBA, 2), lambda j: (j, 0)),
            pl.BlockSpec((NBA, 2), lambda j: (j, 0)),
            pl.BlockSpec((NBA, 3), lambda j: (j, 0)),
            pl.BlockSpec((19, H), lambda j: (0, 0)),
            pl.BlockSpec((1, H), lambda j: (0, 0)),
            pl.BlockSpec((18, H), lambda j: (0, 0)),
            pl.BlockSpec((1, H), lambda j: (0, 0)),
            pl.BlockSpec((H, H * OUT_DIM), lambda j: (0, 0)),
            pl.BlockSpec((1, H * OUT_DIM), lambda j: (0, 0)),
        ],
        out_specs=[
            pl.BlockSpec((NBA, 2), lambda j: (j, 0)),
            pl.BlockSpec((NBA, 128), lambda j: (j, 0)),
            pl.BlockSpec((NBA, H * OUT_DIM), lambda j: (j, 0)),
        ],
        out_shape=[
            jax.ShapeDtypeStruct((NPAD, 2), f32),
            jax.ShapeDtypeStruct((NPAD, 128), f32),
            jax.ShapeDtypeStruct((NPAD, H * OUT_DIM), f32),
        ],
    )(im, ind, outd, inp0, W_lift, row(b_lift), W_t1, row(b_t1),
      W_t2, row(b_t2))

    qx = ing_p[:, 0:1]
    qy = ing_p[:, 1:2]
    px = jnp.full((1, CPAD), 1e9, f32).at[0, :N].set(ing_p[:N, 0])
    py = jnp.full((1, CPAD), 1e9, f32).at[0, :N].set(ing_p[:N, 1])
    pxr = px.reshape(GW, NG).T
    pyr = py.reshape(GW, NG).T
    nbrs16 = pl.pallas_call(
        _knn_body,
        grid=(NPAD // QB,),
        in_specs=[
            pl.BlockSpec((QB, 1), lambda j: (j, 0)),
            pl.BlockSpec((QB, 1), lambda j: (j, 0)),
            pl.BlockSpec((1, CPAD), lambda j: (0, 0)),
            pl.BlockSpec((1, CPAD), lambda j: (0, 0)),
            pl.BlockSpec((NG, GW), lambda j: (0, 0)),
            pl.BlockSpec((NG, GW), lambda j: (0, 0)),
        ],
        out_specs=pl.BlockSpec((QB, 16), lambda j: (j, 0)),
        out_shape=jax.ShapeDtypeStruct((NPAD, 16), jnp.int32),
    )(qx, qy, px, py, pxr, pyr)

    idx_flat = jnp.zeros((K, NPAD), jnp.int32)
    idx_flat = idx_flat.at[:, :N].set(nbrs16[:N, :K].T).reshape(E_PAD)

    g = _sc_gather(table, idx_flat)
    g3 = g.reshape(K, NPAD, 128)

    bnorm = pl.pallas_call(
        _edge_body,
        grid=(NSTEPS,),
        in_specs=[
            pl.BlockSpec((K, NB, 128), lambda j: (0, j, 0)),
            pl.BlockSpec((NB, 2), lambda j: (j, 0)),
            pl.BlockSpec((4, H), lambda j: (0, 0)),
            pl.BlockSpec((1, H), lambda j: (0, 0)),
            pl.BlockSpec((H, H), lambda j: (0, 0)),
            pl.BlockSpec((1, H), lambda j: (0, 0)),
            pl.BlockSpec((H, H), lambda j: (0, 0)),
            pl.BlockSpec((1, H), lambda j: (0, 0)),
            pl.BlockSpec((1, H), lambda j: (0, 0)),
            pl.BlockSpec((1, H), lambda j: (0, 0)),
        ],
        out_specs=pl.BlockSpec((NB, H), lambda j: (j, 0)),
        out_shape=jax.ShapeDtypeStruct((NPAD, H), f32),
    )(g3, ing_p, W_k1, row(b_k1), W_k2, row(b_k2), W_proj, row(b_proj),
      row(ln_g), row(ln_b))

    x = bnorm[:N].reshape(1, N * H)
    RB = 12800
    bout = pl.pallas_call(
        _branch_body,
        grid=(N * H // RB,),
        in_specs=[
            pl.BlockSpec((1, RB), lambda j: (0, j)),
            pl.BlockSpec((RB, H), lambda j: (j, 0)),
            pl.BlockSpec((1, H), lambda j: (0, 0)),
        ],
        out_specs=pl.BlockSpec((1, H), lambda j: (0, 0)),
        out_shape=jax.ShapeDtypeStruct((1, H), f32),
    )(x, W_branch, row(b_branch))

    bias128 = jnp.zeros((1, 128), f32).at[0, :OUT_DIM].set(bias)
    out_p = pl.pallas_call(
        _final_body,
        grid=(NSTEPS,),
        in_specs=[
            pl.BlockSpec((NB, H * OUT_DIM), lambda j: (j, 0)),
            pl.BlockSpec((1, H), lambda j: (0, 0)),
            pl.BlockSpec((1, 128), lambda j: (0, 0)),
        ],
        out_specs=pl.BlockSpec((NB, 4), lambda j: (j, 0)),
        out_shape=jax.ShapeDtypeStruct((NPAD, 4), f32),
    )(tout, bout, bias128)

    return out_p[:N, :OUT_DIM][None]

# --- scband reference (transcript-rebuilt; emitter-appended) ---
"""Pipeline reference for scband-deep-onet-3238405341644 (READ-ONLY COPY).

The authoritative reference and input builder live on the scoring server;
editing this copy changes nothing except your own understanding.
"""

import jax, jax.numpy as jnp
import numpy as np

N = 10000
NDIM = 2
IN_DIM = 3
OUT_DIM = 3
PE_DIM = 8
K = 10
H = 64

def pos_embed(x, num_channels=PE_DIM):
    # NeRF/EDM-style positional embedding: x (flat) -> [len(x), num_channels]
    half = num_channels // 2
    freqs = jnp.arange(half, dtype=jnp.float32) / float(half)
    freqs = (1.0 / 10000.0) ** freqs
    ang = x[:, None] * freqs[None, :]
    return jnp.concatenate([jnp.cos(ang), jnp.sin(ang)], axis=1)

def knn(points, k=K, chunk=500):
    # chunked exact kNN (self included), returns int32 [N, k]
    qs = points.reshape(-1, chunk, points.shape[-1])
    def chunk_fn(qc):
        d = jnp.sum((qc[:, None, :] - points[None, :, :]) ** 2, axis=-1)
        _, idx = jax.lax.top_k(-d, k)
        return idx
    idxs = jax.lax.map(chunk_fn, qs)
    return idxs.reshape(-1, k)

def setup_inputs(seed: int = 0) -> dict:
    key = jax.random.key(seed)
    ks = jax.random.split(key, 12)
    d1 = IN_DIM + NDIM * PE_DIM   # 19, GNN/branch input dim
    td = NDIM + NDIM * PE_DIM     # 18, trunk input dim
    inp = {}
    inp['inp'] = jax.random.normal(ks[0], (1, N, IN_DIM), dtype=jnp.float32)
    inp['in_grid_displacement'] = 0.01 * jax.random.normal(ks[1], (N, NDIM), dtype=jnp.float32)
    inp['out_grid_displacement'] = 0.01 * jax.random.normal(ks[2], (N, NDIM), dtype=jnp.float32)
    inp['initial_mesh'] = jax.random.uniform(ks[3], (N, NDIM), dtype=jnp.float32)
    # GnnLayer params: lifting, GNO kernel MLP (gno_mlp_layers=[64,64]), projection
    inp['W_lift'] = jax.random.normal(ks[4], (d1, H), dtype=jnp.float32) / np.sqrt(d1)
    inp['b_lift'] = jnp.zeros((H,), dtype=jnp.float32)
    inp['W_k1'] = jax.random.normal(ks[5], (2 * NDIM, H), dtype=jnp.float32) / np.sqrt(2 * NDIM)
    inp['b_k1'] = jnp.zeros((H,), dtype=jnp.float32)
    inp['W_k2'] = jax.random.normal(ks[6], (H, H), dtype=jnp.float32) / np.sqrt(H)
    inp['b_k2'] = jnp.zeros((H,), dtype=jnp.float32)
    inp['W_proj'] = jax.random.normal(ks[7], (H, H), dtype=jnp.float32) / np.sqrt(H)
    inp['b_proj'] = jnp.zeros((H,), dtype=jnp.float32)
    inp['ln_g'] = jnp.ones((H,), dtype=jnp.float32)
    inp['ln_b'] = jnp.zeros((H,), dtype=jnp.float32)
    # branch: Linear(H*N -> H) after flattening all node features (batch=1)
    inp['W_branch'] = jax.random.normal(ks[8], (H * N, H), dtype=jnp.float32) / np.sqrt(H * N)
    inp['b_branch'] = jnp.zeros((H,), dtype=jnp.float32)
    # trunk: Linear(18->64)+ReLU, Linear(64->64*OUT_DIM)+ReLU
    inp['W_t1'] = jax.random.normal(ks[9], (td, H), dtype=jnp.float32) / np.sqrt(td)
    inp['b_t1'] = jnp.zeros((H,), dtype=jnp.float32)
    inp['W_t2'] = jax.random.normal(ks[10], (H, H * OUT_DIM), dtype=jnp.float32) / np.sqrt(H)
    inp['b_t2'] = jnp.zeros((H * OUT_DIM,), dtype=jnp.float32)
    inp['bias'] = jnp.zeros((OUT_DIM,), dtype=jnp.float32)
    return inp

def reference(inp, out_grid_displacement, in_grid_displacement, initial_mesh,
              W_lift, b_lift, W_k1, b_k1, W_k2, b_k2, W_proj, b_proj,
              ln_g, ln_b, W_branch, b_branch, W_t1, b_t1, W_t2, b_t2, bias):
    # grid update happens under torch.no_grad in the original module
    in_grid = jax.lax.stop_gradient(initial_mesh + in_grid_displacement)
    out_grid = jax.lax.stop_gradient(initial_mesh + out_grid_displacement)
    nbrs = knn(in_grid)                                   # [N, K] int
    # positional encodings
    in_pe = pos_embed(in_grid.reshape(-1)).reshape(N, -1)  # [N, NDIM*PE_DIM]
    in_data = jnp.concatenate([inp[0], in_pe], axis=-1)    # [N, 19]
    # GnnLayer: lift -> GNO kernel integral (mean over kNN) -> project
    f = in_data @ W_lift + b_lift                          # [N, H]
    y_rep = jnp.broadcast_to(in_grid[:, None, :], (N, K, NDIM))
    x_nb = in_grid[nbrs]                                   # gather [N, K, NDIM]
    edge = jnp.concatenate([y_rep, x_nb], axis=-1)         # [N, K, 4]
    kern = jax.nn.gelu(edge @ W_k1 + b_k1) @ W_k2 + b_k2   # [N, K, H]
    agg = jnp.mean(kern * f[nbrs], axis=1)                 # gather + reduce [N, H]
    gout = agg @ W_proj + b_proj                           # [N, H]
    bout = gout[None, ...]                                 # [1, N, H]
    # LayerNorm over channels
    mu = bout.mean(axis=-1, keepdims=True)
    var = bout.var(axis=-1, keepdims=True)
    bout = (bout - mu) / jnp.sqrt(var + 1e-5) * ln_g + ln_b
    # branch: flatten all nodes, single huge vector-matmul (memory bound)
    bout = bout.reshape(1, -1) @ W_branch + b_branch       # [1, H]
    bout = bout / np.sqrt(H)
    # trunk
    pe = pos_embed(out_grid.reshape(-1)).reshape(N, -1)
    grid_pe = jnp.concatenate([out_grid, pe], axis=1)      # [N, 18]
    tout = jax.nn.relu(jax.nn.relu(grid_pe @ W_t1 + b_t1) @ W_t2 + b_t2)
    tout = tout.reshape(N, OUT_DIM, -1)                    # [N, 3, H]
    out = jnp.einsum('bd,ncd->bnc', bout, tout)            # [1, N, 3]
    return out + bias

if __name__ == "__main__":
    import jax
    _d = setup_inputs()
    print(jax.jit(kernel)(*tuple(_d.values())))

</pallas_src>

<mosaic_0001>
#map = affine_map<(d0, d1) -> (0, 0)>
#map1 = affine_map<(d0, d1) -> (0)>
module attributes {stable_mosaic.version = 14 : i64} {
  func.func @_sc_gather_body(%arg0: i32, %arg1: i32, %arg2: memref<10240x128xf32, #tpu.memory_space<hbm>>, %arg3: memref<102400xi32, #tpu.memory_space<hbm>>, %arg4: memref<102400x128xf32, #tpu.memory_space<hbm>>, %arg5: memref<128xi32, #tpu.memory_space<vmem>>, %arg6: memref<128xi32, #tpu.memory_space<vmem>>, %arg7: memref<128xi32, #tpu.memory_space<vmem>>, %arg8: memref<128xi32, #tpu.memory_space<vmem>>, %arg9: memref<128xi32, #tpu.memory_space<vmem>>, %arg10: memref<128x128xf32, #tpu.memory_space<vmem>>, %arg11: memref<128x128xf32, #tpu.memory_space<vmem>>, %arg12: memref<128x128xf32, #tpu.memory_space<vmem>>, %arg13: memref<128x128xf32, #tpu.memory_space<vmem>>, %arg14: memref<128x128xf32, #tpu.memory_space<vmem>>, %arg15: memref<!tpu.dma_semaphore, #tpu.memory_space<semaphore_mem>>, %arg16: memref<!tpu.dma_semaphore, #tpu.memory_space<semaphore_mem>>) attributes {dimension_semantics = [#tpu.dimension_semantics<core_parallel>, #tpu.dimension_semantics<subcore_parallel>], iteration_bounds = array<i64: 2, 16>, scalar_prefetch = 0 : i64, scratch_operands = 12 : i64, tpu.core_type = #tpu.core_type<sc_vector_subcore>, window_params = [{transform_indices = #map}, {transform_indices = #map1}, {transform_indices = #map}]} {
    %mul3A = arith.constant 2 : i32
    %mul3A_0 = arith.muli %arg1, %mul3A : i32
    %add3A = arith.addi %mul3A_0, %arg0 : i32
    %scan3A = arith.constant 0 : i32
    %scan3A_1 = arith.constant 0 : i32
    %scan3A_2 = arith.constant 5 : i32
    %scan3A_3 = arith.addi %scan3A_1, %scan3A_2 : i32
    %scan3A_4 = arith.constant 1 : i32
    scf.for %scan3A_6 = %scan3A_1 to %scan3A_3 step %scan3A_4  : i32 {
      %mul3A_7 = arith.constant 3200 : i32
      %mul3A_8 = arith.muli %add3A, %mul3A_7 : i32
      %mul3A_9 = arith.constant 5 : i32
      %mul3A_10 = arith.muli %scan3A_6, %mul3A_9 : i32
      %add3A_11 = arith.constant 0 : i32
      %add3A_12 = arith.addi %mul3A_10, %add3A_11 : i32
      %mul3A_13 = arith.constant 128 : i32
      %mul3A_14 = arith.muli %add3A_12, %mul3A_13 : i32
      %add3A_15 = arith.addi %mul3A_8, %mul3A_14 : i32
      %multiple_of3A = tpu.assume_multiple %add3A_15, 8 : i32
      "tpu.region"() ({
        %run_scoped3A = tpu.sem_alloc : memref<!tpu.dma_semaphore, #tpu.memory_space<semaphore_mem>>
        %dma_start3A_174 = tpu.memref_slice %arg3[%multiple_of3A] : memref<102400xi32, #tpu.memory_space<hbm>> -> memref<128xi32, #tpu.memory_space<hbm>>
        %dma_start3A_175 = tpu.memref_slice %arg3[%multiple_of3A] : memref<102400xi32, #tpu.memory_space<hbm>> -> memref<128xi32, #tpu.memory_space<hbm>>
        tpu.enqueue_dma source(%dma_start3A_175 : memref<128xi32, #tpu.memory_space<hbm>>) target(%arg5 : memref<128xi32, #tpu.memory_space<vmem>>) target_semaphore(%run_scoped3A : memref<!tpu.dma_semaphore, #tpu.memory_space<semaphore_mem>>)
        %dma_wait3A_176 = tpu.memref_slice %arg3[%multiple_of3A] : memref<102400xi32, #tpu.memory_space<hbm>> -> memref<128xi32, #tpu.memory_space<hbm>>
        %dma_wait3A_177 = tpu.memref_slice %arg3[%multiple_of3A] : memref<102400xi32, #tpu.memory_space<hbm>> -> memref<128xi32, #tpu.memory_space<hbm>>
        tpu.wait_dma2 semaphore(%run_scoped3A : memref<!tpu.dma_semaphore, #tpu.memory_space<semaphore_mem>>) src(%dma_wait3A_177 : memref<128xi32, #tpu.memory_space<hbm>>) dst(%arg5 : memref<128xi32, #tpu.memory_space<vmem>>)
        tpu.yield
      }) : () -> ()
      %mul3A_16 = arith.constant 3200 : i32
      %mul3A_17 = arith.muli %add3A, %mul3A_16 : i32
      %mul3A_18 = arith.constant 5 : i32
      %mul3A_19 = arith.muli %scan3A_6, %mul3A_18 : i32
      %add3A_20 = arith.constant 1 : i32
      %add3A_21 = arith.addi %mul3A_19, %add3A_20 : i32
      %mul3A_22 = arith.constant 128 : i32
      %mul3A_23 = arith.muli %add3A_21, %mul3A_22 : i32
      %add3A_24 = arith.addi %mul3A_17, %mul3A_23 : i32
      %multiple_of3A_25 = tpu.assume_multiple %add3A_24, 8 : i32
      "tpu.region"() ({
        %run_scoped3A = tpu.sem_alloc : memref<!tpu.dma_semaphore, #tpu.memory_space<semaphore_mem>>
        %dma_start3A_174 = tpu.memref_slice %arg3[%multiple_of3A_25] : memref<102400xi32, #tpu.memory_space<hbm>> -> memref<128xi32, #tpu.memory_space<hbm>>
        %dma_start3A_175 = tpu.memref_slice %arg3[%multiple_of3A_25] : memref<102400xi32, #tpu.memory_space<hbm>> -> memref<128xi32, #tpu.memory_space<hbm>>
        tpu.enqueue_dma source(%dma_start3A_175 : memref<128xi32, #tpu.memory_space<hbm>>) target(%arg6 : memref<128xi32, #tpu.memory_space<vmem>>) target_semaphore(%run_scoped3A : memref<!tpu.dma_semaphore, #tpu.memory_space<semaphore_mem>>)
        %dma_wait3A_176 = tpu.memref_slice %arg3[%multiple_of3A_25] : memref<102400xi32, #tpu.memory_space<hbm>> -> memref<128xi32, #tpu.memory_space<hbm>>
        %dma_wait3A_177 = tpu.memref_slice %arg3[%multiple_of3A_25] : memref<102400xi32, #tpu.memory_space<hbm>> -> memref<128xi32, #tpu.memory_space<hbm>>
        tpu.wait_dma2 semaphore(%run_scoped3A : memref<!tpu.dma_semaphore, #tpu.memory_space<semaphore_mem>>) src(%dma_wait3A_177 : memref<128xi32, #tpu.memory_space<hbm>>) dst(%arg6 : memref<128xi32, #tpu.memory_space<vmem>>)
        tpu.yield
      }) : () -> ()
      %mul3A_26 = arith.constant 3200 : i32
      %mul3A_27 = arith.muli %add3A, %mul3A_26 : i32
      %mul3A_28 = arith.constant 5 : i32
      %mul3A_29 = arith.muli %scan3A_6, %mul3A_28 : i32
      %add3A_30 = arith.constant 2 : i32
      %add3A_31 = arith.addi %mul3A_29, %add3A_30 : i32
      %mul3A_32 = arith.constant 128 : i32
      %mul3A_33 = arith.muli %add3A_31, %mul3A_32 : i32
      %add3A_34 = arith.addi %mul3A_27, %mul3A_33 : i32
      %multiple_of3A_35 = tpu.assume_multiple %add3A_34, 8 : i32
      "tpu.region"() ({
        %run_scoped3A = tpu.sem_alloc : memref<!tpu.dma_semaphore, #tpu.memory_space<semaphore_mem>>
        %dma_start3A_174 = tpu.memref_slice %arg3[%multiple_of3A_35] : memref<102400xi32, #tpu.memory_space<hbm>> -> memref<128xi32, #tpu.memory_space<hbm>>
        %dma_start3A_175 = tpu.memref_slice %arg3[%multiple_of3A_35] : memref<102400xi32, #tpu.memory_space<hbm>> -> memref<128xi32, #tpu.memory_space<hbm>>
        tpu.enqueue_dma source(%dma_start3A_175 : memref<128xi32, #tpu.memory_space<hbm>>) target(%arg7 : memref<128xi32, #tpu.memory_space<vmem>>) target_semaphore(%run_scoped3A : memref<!tpu.dma_semaphore, #tpu.memory_space<semaphore_mem>>)
        %dma_wait3A_176 = tpu.memref_slice %arg3[%multiple_of3A_35] : memref<102400xi32, #tpu.memory_space<hbm>> -> memref<128xi32, #tpu.memory_space<hbm>>
        %dma_wait3A_177 = tpu.memref_slice %arg3[%multiple_of3A_35] : memref<102400xi32, #tpu.memory_space<hbm>> -> memref<128xi32, #tpu.memory_space<hbm>>
        tpu.wait_dma2 semaphore(%run_scoped3A : memref<!tpu.dma_semaphore, #tpu.memory_space<semaphore_mem>>) src(%dma_wait3A_177 : memref<128xi32, #tpu.memory_space<hbm>>) dst(%arg7 : memref<128xi32, #tpu.memory_space<vmem>>)
        tpu.yield
      }) : () -> ()
      %mul3A_36 = arith.constant 3200 : i32
      %mul3A_37 = arith.muli %add3A, %mul3A_36 : i32
      %mul3A_38 = arith.constant 5 : i32
      %mul3A_39 = arith.muli %scan3A_6, %mul3A_38 : i32
      %add3A_40 = arith.constant 3 : i32
      %add3A_41 = arith.addi %mul3A_39, %add3A_40 : i32
      %mul3A_42 = arith.constant 128 : i32
      %mul3A_43 = arith.muli %add3A_41, %mul3A_42 : i32
      %add3A_44 = arith.addi %mul3A_37, %mul3A_43 : i32
      %multiple_of3A_45 = tpu.assume_multiple %add3A_44, 8 : i32
      "tpu.region"() ({
        %run_scoped3A = tpu.sem_alloc : memref<!tpu.dma_semaphore, #tpu.memory_space<semaphore_mem>>
        %dma_start3A_174 = tpu.memref_slice %arg3[%multiple_of3A_45] : memref<102400xi32, #tpu.memory_space<hbm>> -> memref<128xi32, #tpu.memory_space<hbm>>
        %dma_start3A_175 = tpu.memref_slice %arg3[%multiple_of3A_45] : memref<102400xi32, #tpu.memory_space<hbm>> -> memref<128xi32, #tpu.memory_space<hbm>>
        tpu.enqueue_dma source(%dma_start3A_175 : memref<128xi32, #tpu.memory_space<hbm>>) target(%arg8 : memref<128xi32, #tpu.memory_space<vmem>>) target_semaphore(%run_scoped3A : memref<!tpu.dma_semaphore, #tpu.memory_space<semaphore_mem>>)
        %dma_wait3A_176 = tpu.memref_slice %arg3[%multiple_of3A_45] : memref<102400xi32, #tpu.memory_space<hbm>> -> memref<128xi32, #tpu.memory_space<hbm>>
        %dma_wait3A_177 = tpu.memref_slice %arg3[%multiple_of3A_45] : memref<102400xi32, #tpu.memory_space<hbm>> -> memref<128xi32, #tpu.memory_space<hbm>>
        tpu.wait_dma2 semaphore(%run_scoped3A : memref<!tpu.dma_semaphore, #tpu.memory_space<semaphore_mem>>) src(%dma_wait3A_177 : memref<128xi32, #tpu.memory_space<hbm>>) dst(%arg8 : memref<128xi32, #tpu.memory_space<vmem>>)
        tpu.yield
      }) : () -> ()
      %mul3A_46 = arith.constant 3200 : i32
      %mul3A_47 = arith.muli %add3A, %mul3A_46 : i32
      %mul3A_48 = arith.constant 5 : i32
      %mul3A_49 = arith.muli %scan3A_6, %mul3A_48 : i32
      %add3A_50 = arith.constant 4 : i32
      %add3A_51 = arith.addi %mul3A_49, %add3A_50 : i32
      %mul3A_52 = arith.constant 128 : i32
      %mul3A_53 = arith.muli %add3A_51, %mul3A_52 : i32
      %add3A_54 = arith.addi %mul3A_47, %mul3A_53 : i32
      %multiple_of3A_55 = tpu.assume_multiple %add3A_54, 8 : i32
      "tpu.region"() ({
        %run_scoped3A = tpu.sem_alloc : memref<!tpu.dma_semaphore, #tpu.memory_space<semaphore_mem>>
        %dma_start3A_174 = tpu.memref_slice %arg3[%multiple_of3A_55] : memref<102400xi32, #tpu.memory_space<hbm>> -> memref<128xi32, #tpu.memory_space<hbm>>
        %dma_start3A_175 = tpu.memref_slice %arg3[%multiple_of3A_55] : memref<102400xi32, #tpu.memory_space<hbm>> -> memref<128xi32, #tpu.memory_space<hbm>>
        tpu.enqueue_dma source(%dma_start3A_175 : memref<128xi32, #tpu.memory_space<hbm>>) target(%arg9 : memref<128xi32, #tpu.memory_space<vmem>>) target_semaphore(%run_scoped3A : memref<!tpu.dma_semaphore, #tpu.memory_space<semaphore_mem>>)
        %dma_wait3A_176 = tpu.memref_slice %arg3[%multiple_of3A_55] : memref<102400xi32, #tpu.memory_space<hbm>> -> memref<128xi32, #tpu.memory_space<hbm>>
        %dma_wait3A_177 = tpu.memref_slice %arg3[%multiple_of3A_55] : memref<102400xi32, #tpu.memory_space<hbm>> -> memref<128xi32, #tpu.memory_space<hbm>>
        tpu.wait_dma2 semaphore(%run_scoped3A : memref<!tpu.dma_semaphore, #tpu.memory_space<semaphore_mem>>) src(%dma_wait3A_177 : memref<128xi32, #tpu.memory_space<hbm>>) dst(%arg9 : memref<128xi32, #tpu.memory_space<vmem>>)
        tpu.yield
      }) : () -> ()
      %dma_start3A = arith.constant 0 : i32
      %dma_start3A_56 = arith.constant 0 : i32
      %dma_start3A_57 = tpu.memref_slice %arg2[%dma_start3A, %dma_start3A_56] : memref<10240x128xf32, #tpu.memory_space<hbm>> -> memref<10240x128xf32, #tpu.memory_space<hbm>>
      tpu.enqueue_indirect_dma source(%dma_start3A_57 : memref<10240x128xf32, #tpu.memory_space<hbm>>) target(%arg10 : memref<128x128xf32, #tpu.memory_space<vmem>>) offsets(%arg5 : memref<128xi32, #tpu.memory_space<vmem>>) semaphore(%arg15 : memref<!tpu.dma_semaphore, #tpu.memory_space<semaphore_mem>>)
      %dma_start3A_58 = arith.constant 0 : i32
      %dma_start3A_59 = arith.constant 0 : i32
      %dma_start3A_60 = tpu.memref_slice %arg2[%dma_start3A_58, %dma_start3A_59] : memref<10240x128xf32, #tpu.memory_space<hbm>> -> memref<10240x128xf32, #tpu.memory_space<hbm>>
      tpu.enqueue_indirect_dma source(%dma_start3A_60 : memref<10240x128xf32, #tpu.memory_space<hbm>>) target(%arg11 : memref<128x128xf32, #tpu.memory_space<vmem>>) offsets(%arg6 : memref<128xi32, #tpu.memory_space<vmem>>) semaphore(%arg15 : memref<!tpu.dma_semaphore, #tpu.memory_space<semaphore_mem>>)
      %dma_start3A_61 = arith.constant 0 : i32
      %dma_start3A_62 = arith.constant 0 : i32
      %dma_start3A_63 = tpu.memref_slice %arg2[%dma_start3A_61, %dma_start3A_62] : memref<10240x128xf32, #tpu.memory_space<hbm>> -> memref<10240x128xf32, #tpu.memory_space<hbm>>
      tpu.enqueue_indirect_dma source(%dma_start3A_63 : memref<10240x128xf32, #tpu.memory_space<hbm>>) target(%arg12 : memref<128x128xf32, #tpu.memory_space<vmem>>) offsets(%arg7 : memref<128xi32, #tpu.memory_space<vmem>>) semaphore(%arg15 : memref<!tpu.dma_semaphore, #tpu.memory_space<semaphore_mem>>)
      %dma_start3A_64 = arith.constant 0 : i32
      %dma_start3A_65 = arith.constant 0 : i32
      %dma_start3A_66 = tpu.memref_slice %arg2[%dma_start3A_64, %dma_start3A_65] : memref<10240x128xf32, #tpu.memory_space<hbm>> -> memref<10240x128xf32, #tpu.memory_space<hbm>>
      tpu.enqueue_indirect_dma source(%dma_start3A_66 : memref<10240x128xf32, #tpu.memory_space<hbm>>) target(%arg13 : memref<128x128xf32, #tpu.memory_space<vmem>>) offsets(%arg8 : memref<128xi32, #tpu.memory_space<vmem>>) semaphore(%arg15 : memref<!tpu.dma_semaphore, #tpu.memory_space<semaphore_mem>>)
      %dma_start3A_67 = arith.constant 0 : i32
      %dma_start3A_68 = arith.constant 0 : i32
      %dma_start3A_69 = tpu.memref_slice %arg2[%dma_start3A_67, %dma_start3A_68] : memref<10240x128xf32, #tpu.memory_space<hbm>> -> memref<10240x128xf32, #tpu.memory_space<hbm>>
      tpu.enqueue_indirect_dma source(%dma_start3A_69 : memref<10240x128xf32, #tpu.memory_space<hbm>>) target(%arg14 : memref<128x128xf32, #tpu.memory_space<vmem>>) offsets(%arg9 : memref<128xi32, #tpu.memory_space<vmem>>) semaphore(%arg15 : memref<!tpu.dma_semaphore, #tpu.memory_space<semaphore_mem>>)
      %dma_wait3A = arith.constant 0 : i32
      %dma_wait3A_70 = arith.constant 0 : i32
      %dma_wait3A_71 = tpu.memref_slice %arg2[%dma_wait3A, %dma_wait3A_70] : memref<10240x128xf32, #tpu.memory_space<hbm>> -> memref<10240x128xf32, #tpu.memory_space<hbm>>
      tpu.wait_indirect_dma semaphore(%arg15 : memref<!tpu.dma_semaphore, #tpu.memory_space<semaphore_mem>>) src(%dma_wait3A_71 : memref<10240x128xf32, #tpu.memory_space<hbm>>) dst(%arg10 : memref<128x128xf32, #tpu.memory_space<vmem>>)
      %dma_wait3A_72 = arith.constant 0 : i32
      %dma_wait3A_73 = arith.constant 0 : i32
      %dma_wait3A_74 = tpu.memref_slice %arg2[%dma_wait3A_72, %dma_wait3A_73] : memref<10240x128xf32, #tpu.memory_space<hbm>> -> memref<10240x128xf32, #tpu.memory_space<hbm>>
      tpu.wait_indirect_dma semaphore(%arg15 : memref<!tpu.dma_semaphore, #tpu.memory_space<semaphore_mem>>) src(%dma_wait3A_74 : memref<10240x128xf32, #tpu.memory_space<hbm>>) dst(%arg11 : memref<128x128xf32, #tpu.memory_space<vmem>>)
      %dma_wait3A_75 = arith.constant 0 : i32
      %dma_wait3A_76 = arith.constant 0 : i32
      %dma_wait3A_77 = tpu.memref_slice %arg2[%dma_wait3A_75, %dma_wait3A_76] : memref<10240x128xf32, #tpu.memory_space<hbm>> -> memref<10240x128xf32, #tpu.memory_space<hbm>>
      tpu.wait_indirect_dma semaphore(%arg15 : memref<!tpu.dma_semaphore, #tpu.memory_space<semaphore_mem>>) src(%dma_wait3A_77 : memref<10240x128xf32, #tpu.memory_space<hbm>>) dst(%arg12 : memref<128x128xf32, #tpu.memory_space<vmem>>)
      %dma_wait3A_78 = arith.constant 0 : i32
      %dma_wait3A_79 = arith.constant 0 : i32
      %dma_wait3A_80 = tpu.memref_slice %arg2[%dma_wait3A_78, %dma_wait3A_79] : memref<10240x128xf32, #tpu.memory_space<hbm>> -> memref<10240x128xf32, #tpu.memory_space<hbm>>
      tpu.wait_indirect_dma semaphore(%arg15 : memref<!tpu.dma_semaphore, #tpu.memory_space<semaphore_mem>>) src(%dma_wait3A_80 : memref<10240x128xf32, #tpu.memory_space<hbm>>) dst(%arg13 : memref<128x128xf32, #tpu.memory_space<vmem>>)
      %dma_wait3A_81 = arith.constant 0 : i32
      %dma_wait3A_82 = arith.constant 0 : i32
      %dma_wait3A_83 = tpu.memref_slice %arg2[%dma_wait3A_81, %dma_wait3A_82] : memref<10240x128xf32, #tpu.memory_space<hbm>> -> memref<10240x128xf32, #tpu.memory_space<hbm>>
      tpu.wait_indirect_dma semaphore(%arg15 : memref<!tpu.dma_semaphore, #tpu.memory_space<semaphore_mem>>) src(%dma_wait3A_83 : memref<10240x128xf32, #tpu.memory_space<hbm>>) dst(%arg14 : memref<128x128xf32, #tpu.memory_space<vmem>>)
      %mul3A_84 = arith.constant 3200 : i32
      %mul3A_85 = arith.muli %add3A, %mul3A_84 : i32
      %mul3A_86 = arith.constant 5 : i32
      %mul3A_87 = arith.muli %scan3A_6, %mul3A_86 : i32
      %add3A_88 = arith.constant 0 : i32
      %add3A_89 = arith.addi %mul3A_87, %add3A_88 : i32
      %mul3A_90 = arith.constant 128 : i32
      %mul3A_91 = arith.muli %add3A_89, %mul3A_90 : i32
      %add3A_92 = arith.addi %mul3A_85, %mul3A_91 : i32
      %multiple_of3A_93 = tpu.assume_multiple %add3A_92, 8 : i32
      %dma_start3A_94 = arith.constant 0 : i32
      %dma_start3A_95 = tpu.memref_slice %arg4[%multiple_of3A_93, %dma_start3A_94] : memref<102400x128xf32, #tpu.memory_space<hbm>> -> memref<128x128xf32, #tpu.memory_space<hbm>>
      %dma_start3A_96 = arith.constant 0 : i32
      %dma_start3A_97 = tpu.memref_slice %arg4[%multiple_of3A_93, %dma_start3A_96] : memref<102400x128xf32, #tpu.memory_space<hbm>> -> memref<128x128xf32, #tpu.memory_space<hbm>>
      tpu.enqueue_dma source(%arg10 : memref<128x128xf32, #tpu.memory_space<vmem>>) target(%dma_start3A_97 : memref<128x128xf32, #tpu.memory_space<hbm>>) target_semaphore(%arg16 : memref<!tpu.dma_semaphore, #tpu.memory_space<semaphore_mem>>)
      %mul3A_98 = arith.constant 3200 : i32
      %mul3A_99 = arith.muli %add3A, %mul3A_98 : i32
      %mul3A_100 = arith.constant 5 : i32
      %mul3A_101 = arith.muli %scan3A_6, %mul3A_100 : i32
      %add3A_102 = arith.constant 1 : i32
      %add3A_103 = arith.addi %mul3A_101, %add3A_102 : i32
      %mul3A_104 = arith.constant 128 : i32
      %mul3A_105 = arith.muli %add3A_103, %mul3A_104 : i32
      %add3A_106 = arith.addi %mul3A_99, %mul3A_105 : i32
      %multiple_of3A_107 = tpu.assume_multiple %add3A_106, 8 : i32
      %dma_start3A_108 = arith.constant 0 : i32
      %dma_start3A_109 = tpu.memref_slice %arg4[%multiple_of3A_107, %dma_start3A_108] : memref<102400x128xf32, #tpu.memory_space<hbm>> -> memref<128x128xf32, #tpu.memory_space<hbm>>
      %dma_start3A_110 = arith.constant 0 : i32
      %dma_start3A_111 = tpu.memref_slice %arg4[%multiple_of3A_107, %dma_start3A_110] : memref<102400x128xf32, #tpu.memory_space<hbm>> -> memref<128x128xf32, #tpu.memory_space<hbm>>
      tpu.enqueue_dma source(%arg11 : memref<128x128xf32, #tpu.memory_space<vmem>>) target(%dma_start3A_111 : memref<128x128xf32, #tpu.memory_space<hbm>>) target_semaphore(%arg16 : memref<!tpu.dma_semaphore, #tpu.memory_space<semaphore_mem>>)
      %mul3A_112 = arith.constant 3200 : i32
      %mul3A_113 = arith.muli %add3A, %mul3A_112 : i32
      %mul3A_114 = arith.constant 5 : i32
      %mul3A_115 = arith.muli %scan3A_6, %mul3A_114 : i32
      %add3A_116 = arith.constant 2 : i32
      %add3A_117 = arith.addi %mul3A_115, %add3A_116 : i32
      %mul3A_118 = arith.constant 128 : i32
      %mul3A_119 = arith.muli %add3A_117, %mul3A_118 : i32
      %add3A_120 = arith.addi %mul3A_113, %mul3A_119 : i32
      %multiple_of3A_121 = tpu.assume_multiple %add3A_120, 8 : i32
      %dma_start3A_122 = arith.constant 0 : i32
      %dma_start3A_123 = tpu.memref_slice %arg4[%multiple_of3A_121, %dma_start3A_122] : memref<102400x128xf32, #tpu.memory_space<hbm>> -> memref<128x128xf32, #tpu.memory_space<hbm>>
      %dma_start3A_124 = arith.constant 0 : i32
      %dma_start3A_125 = tpu.memref_slice %arg4[%multiple_of3A_121, %dma_start3A_124] : memref<102400x128xf32, #tpu.memory_space<hbm>> -> memref<128x128xf32, #tpu.memory_space<hbm>>
      tpu.enqueue_dma source(%arg12 : memref<128x128xf32, #tpu.memory_space<vmem>>) target(%dma_start3A_125 : memref<128x128xf32, #tpu.memory_space<hbm>>) target_semaphore(%arg16 : memref<!tpu.dma_semaphore, #tpu.memory_space<semaphore_mem>>)
      %mul3A_126 = arith.constant 3200 : i32
      %mul3A_127 = arith.muli %add3A, %mul3A_126 : i32
      %mul3A_128 = arith.constant 5 : i32
      %mul3A_129 = arith.muli %scan3A_6, %mul3A_128 : i32
      %add3A_130 = arith.constant 3 : i32
      %add3A_131 = arith.addi %mul3A_129, %add3A_130 : i32
      %mul3A_132 = arith.constant 128 : i32
      %mul3A_133 = arith.muli %add3A_131, %mul3A_132 : i32
      %add3A_134 = arith.addi %mul3A_127, %mul3A_133 : i32
      %multiple_of3A_135 = tpu.assume_multiple %add3A_134, 8 : i32
      %dma_start3A_136 = arith.constant 0 : i32
      %dma_start3A_137 = tpu.memref_slice %arg4[%multiple_of3A_135, %dma_start3A_136] : memref<102400x128xf32, #tpu.memory_space<hbm>> -> memref<128x128xf32, #tpu.memory_space<hbm>>
      %dma_start3A_138 = arith.constant 0 : i32
      %dma_start3A_139 = tpu.memref_slice %arg4[%multiple_of3A_135, %dma_start3A_138] : memref<102400x128xf32, #tpu.memory_space<hbm>> -> memref<128x128xf32, #tpu.memory_space<hbm>>
      tpu.enqueue_dma source(%arg13 : memref<128x128xf32, #tpu.memory_space<vmem>>) target(%dma_start3A_139 : memref<128x128xf32, #tpu.memory_space<hbm>>) target_semaphore(%arg16 : memref<!tpu.dma_semaphore, #tpu.memory_space<semaphore_mem>>)
      %mul3A_140 = arith.constant 3200 : i32
      %mul3A_141 = arith.muli %add3A, %mul3A_140 : i32
      %mul3A_142 = arith.constant 5 : i32
      %mul3A_143 = arith.muli %scan3A_6, %mul3A_142 : i32
      %add3A_144 = arith.constant 4 : i32
      %add3A_145 = arith.addi %mul3A_143, %add3A_144 : i32
      %mul3A_146 = arith.constant 128 : i32
      %mul3A_147 = arith.muli %add3A_145, %mul3A_146 : i32
      %add3A_148 = arith.addi %mul3A_141, %mul3A_147 : i32
      %multiple_of3A_149 = tpu.assume_multiple %add3A_148, 8 : i32
      %dma_start3A_150 = arith.constant 0 : i32
      %dma_start3A_151 = tpu.memref_slice %arg4[%multiple_of3A_149, %dma_start3A_150] : memref<102400x128xf32, #tpu.memory_space<hbm>> -> memref<128x128xf32, #tpu.memory_space<hbm>>
      %dma_start3A_152 = arith.constant 0 : i32
      %dma_start3A_153 = tpu.memref_slice %arg4[%multiple_of3A_149, %dma_start3A_152] : memref<102400x128xf32, #tpu.memory_space<hbm>> -> memref<128x128xf32, #tpu.memory_space<hbm>>
      tpu.enqueue_dma source(%arg14 : memref<128x128xf32, #tpu.memory_space<vmem>>) target(%dma_start3A_153 : memref<128x128xf32, #tpu.memory_space<hbm>>) target_semaphore(%arg16 : memref<!tpu.dma_semaphore, #tpu.memory_space<semaphore_mem>>)
      %dma_wait3A_154 = arith.constant 0 : i32
      %dma_wait3A_155 = tpu.memref_slice %arg4[%multiple_of3A_93, %dma_wait3A_154] : memref<102400x128xf32, #tpu.memory_space<hbm>> -> memref<128x128xf32, #tpu.memory_space<hbm>>
      %dma_wait3A_156 = arith.constant 0 : i32
      %dma_wait3A_157 = tpu.memref_slice %arg4[%multiple_of3A_93, %dma_wait3A_156] : memref<102400x128xf32, #tpu.memory_space<hbm>> -> memref<128x128xf32, #tpu.memory_space<hbm>>
      tpu.wait_dma2 semaphore(%arg16 : memref<!tpu.dma_semaphore, #tpu.memory_space<semaphore_mem>>) src(%arg10 : memref<128x128xf32, #tpu.memory_space<vmem>>) dst(%dma_wait3A_157 : memref<128x128xf32, #tpu.memory_space<hbm>>)
      %dma_wait3A_158 = arith.constant 0 : i32
      %dma_wait3A_159 = tpu.memref_slice %arg4[%multiple_of3A_107, %dma_wait3A_158] : memref<102400x128xf32, #tpu.memory_space<hbm>> -> memref<128x128xf32, #tpu.memory_space<hbm>>
      %dma_wait3A_160 = arith.constant 0 : i32
      %dma_wait3A_161 = tpu.memref_slice %arg4[%multiple_of3A_107, %dma_wait3A_160] : memref<102400x128xf32, #tpu.memory_space<hbm>> -> memref<128x128xf32, #tpu.memory_space<hbm>>
      tpu.wait_dma2 semaphore(%arg16 : memref<!tpu.dma_semaphore, #tpu.memory_space<semaphore_mem>>) src(%arg11 : memref<128x128xf32, #tpu.memory_space<vmem>>) dst(%dma_wait3A_161 : memref<128x128xf32, #tpu.memory_space<hbm>>)
      %dma_wait3A_162 = arith.constant 0 : i32
      %dma_wait3A_163 = tpu.memref_slice %arg4[%multiple_of3A_121, %dma_wait3A_162] : memref<102400x128xf32, #tpu.memory_space<hbm>> -> memref<128x128xf32, #tpu.memory_space<hbm>>
      %dma_wait3A_164 = arith.constant 0 : i32
      %dma_wait3A_165 = tpu.memref_slice %arg4[%multiple_of3A_121, %dma_wait3A_164] : memref<102400x128xf32, #tpu.memory_space<hbm>> -> memref<128x128xf32, #tpu.memory_space<hbm>>
      tpu.wait_dma2 semaphore(%arg16 : memref<!tpu.dma_semaphore, #tpu.memory_space<semaphore_mem>>) src(%arg12 : memref<128x128xf32, #tpu.memory_space<vmem>>) dst(%dma_wait3A_165 : memref<128x128xf32, #tpu.memory_space<hbm>>)
      %dma_wait3A_166 = arith.constant 0 : i32
      %dma_wait3A_167 = tpu.memref_slice %arg4[%multiple_of3A_135, %dma_wait3A_166] : memref<102400x128xf32, #tpu.memory_space<hbm>> -> memref<128x128xf32, #tpu.memory_space<hbm>>
      %dma_wait3A_168 = arith.constant 0 : i32
      %dma_wait3A_169 = tpu.memref_slice %arg4[%multiple_of3A_135, %dma_wait3A_168] : memref<102400x128xf32, #tpu.memory_space<hbm>> -> memref<128x128xf32, #tpu.memory_space<hbm>>
      tpu.wait_dma2 semaphore(%arg16 : memref<!tpu.dma_semaphore, #tpu.memory_space<semaphore_mem>>) src(%arg13 : memref<128x128xf32, #tpu.memory_space<vmem>>) dst(%dma_wait3A_169 : memref<128x128xf32, #tpu.memory_space<hbm>>)
      %dma_wait3A_170 = arith.constant 0 : i32
      %dma_wait3A_171 = tpu.memref_slice %arg4[%multiple_of3A_149, %dma_wait3A_170] : memref<102400x128xf32, #tpu.memory_space<hbm>> -> memref<128x128xf32, #tpu.memory_space<hbm>>
      %dma_wait3A_172 = arith.constant 0 : i32
      %dma_wait3A_173 = tpu.memref_slice %arg4[%multiple_of3A_149, %dma_wait3A_172] : memref<102400x128xf32, #tpu.memory_space<hbm>> -> memref<128x128xf32, #tpu.memory_space<hbm>>
      tpu.wait_dma2 semaphore(%arg16 : memref<!tpu.dma_semaphore, #tpu.memory_space<semaphore_mem>>) src(%arg14 : memref<128x128xf32, #tpu.memory_space<vmem>>) dst(%dma_wait3A_173 : memref<128x128xf32, #tpu.memory_space<hbm>>)
    }
    %scan3A_5 = arith.constant 5 : i32
    return
  }
}

module attributes {stable_mosaic.version = 14 : i64} {
  func.func @_prep_body(%arg0: i32, %arg1: memref<512x2xf32, #tpu.memory_space<vmem>>, %arg2: memref<512x2xf32, #tpu.memory_space<vmem>>, %arg3: memref<512x2xf32, #tpu.memory_space<vmem>>, %arg4: memref<512x3xf32, #tpu.memory_space<vmem>>, %arg5: memref<19x64xf32, #tpu.memory_space<vmem>>, %arg6: memref<1x64xf32, #tpu.memory_space<vmem>>, %arg7: memref<18x64xf32, #tpu.memory_space<vmem>>, %arg8: memref<1x64xf32, #tpu.memory_space<vmem>>, %arg9: memref<64x192xf32, #tpu.memory_space<vmem>>, %arg10: memref<1x192xf32, #tpu.memory_space<vmem>>, %arg11: memref<512x2xf32, #tpu.memory_space<vmem>>, %arg12: memref<512x128xf32, #tpu.memory_space<vmem>>, %arg13: memref<512x192xf32, #tpu.memory_space<vmem>>) attributes {dimension_semantics = [#tpu.dimension_semantics<arbitrary>], iteration_bounds = array<i64: 20>, scalar_prefetch = 0 : i64, scratch_operands = 0 : i64, tpu.core_type = #tpu.core_type<tc>, window_params = [{transform_indices = @transform_0, window_bounds = array<i64: 512, 2>}, {transform_indices = @transform_1, window_bounds = array<i64: 512, 2>}, {transform_indices = @transform_2, window_bounds = array<i64: 512, 2>}, {transform_indices = @transform_3, window_bounds = array<i64: 512, 3>}, {pipeline_mode = #tpu.pipeline_mode<synchronous>, transform_indices = @transform_4, window_bounds = array<i64: 19, 64>}, {pipeline_mode = #tpu.pipeline_mode<synchronous>, transform_indices = @transform_5, window_bounds = array<i64: 1, 64>}, {pipeline_mode = #tpu.pipeline_mode<synchronous>, transform_indices = @transform_6, window_bounds = array<i64: 18, 64>}, {pipeline_mode = #tpu.pipeline_mode<synchronous>, transform_indices = @transform_7, window_bounds = array<i64: 1, 64>}, {pipeline_mode = #tpu.pipeline_mode<synchronous>, transform_indices = @transform_8, window_bounds = array<i64: 64, 192>}, {pipeline_mode = #tpu.pipeline_mode<synchronous>, transform_indices = @transform_9, window_bounds = array<i64: 1, 192>}, {transform_indices = @transform_10, window_bounds = array<i64: 512, 2>}, {transform_indices = @transform_11, window_bounds = array<i64: 512, 128>}, {transform_indices = @transform_12, window_bounds = array<i64: 512, 192>}]} {
    %get3A = arith.constant 0 : index
    %get3A_0 = arith.constant 0 : index
    %get3A_1 = vector.load %arg1[%get3A, %get3A_0] : memref<512x2xf32, #tpu.memory_space<vmem>>, vector<512x2xf32>
    %get3A_2 = arith.constant 0 : index
    %get3A_3 = arith.constant 0 : index
    %get3A_4 = vector.load %arg2[%get3A_2, %get3A_3] : memref<512x2xf32, #tpu.memory_space<vmem>>, vector<512x2xf32>
    %add3A = arith.addf %get3A_1, %get3A_4 : vector<512x2xf32>
    %get3A_5 = arith.constant 0 : index
    %get3A_6 = arith.constant 0 : index
    %get3A_7 = vector.load %arg3[%get3A_5, %get3A_6] : memref<512x2xf32, #tpu.memory_space<vmem>>, vector<512x2xf32>
    %add3A_8 = arith.addf %get3A_1, %get3A_7 : vector<512x2xf32>
    %swap3A = arith.constant 0 : index
    %swap3A_9 = arith.constant 0 : index
    %swap3A_10 = vector.load %arg11[%swap3A, %swap3A_9] : memref<512x2xf32, #tpu.memory_space<vmem>>, vector<512x2xf32>
    tpu.vector_store %arg11[%swap3A, %swap3A_9], %add3A {strides = array<i32>} : memref<512x2xf32, #tpu.memory_space<vmem>>, vector<512x2xf32>,
    %slice3A = vector.extract_strided_slice %add3A {offsets = [0, 0], sizes = [512, 1], strides = [1, 1]} : vector<512x2xf32> to vector<512x1xf32>
    %mul3A = arith.constant 1.000000e+00 : f32
    %mul3A_11 = vector.broadcast %mul3A : f32 to vector<512x1xf32>
    %mul3A_12 = arith.mulf %slice3A, %mul3A_11 : vector<512x1xf32>
    %mul3A_13 = arith.constant 1.000000e-01 : f32
    %mul3A_14 = vector.broadcast %mul3A_13 : f32 to vector<512x1xf32>
    %mul3A_15 = arith.mulf %slice3A, %mul3A_14 : vector<512x1xf32>
    %mul3A_16 = arith.constant 0.00999999977 : f32
    %mul3A_17 = vector.broadcast %mul3A_16 : f32 to vector<512x1xf32>
    %mul3A_18 = arith.mulf %slice3A, %mul3A_17 : vector<512x1xf32>
    %mul3A_19 = arith.constant 9.99999931E-4 : f32
    %mul3A_20 = vector.broadcast %mul3A_19 : f32 to vector<512x1xf32>
    %mul3A_21 = arith.mulf %slice3A, %mul3A_20 : vector<512x1xf32>
    %concatenate3A = tpu.concatenate %mul3A_12, %mul3A_15, %mul3A_18, %mul3A_21 in 1 : vector<512x1xf32>, vector<512x1xf32>, vector<512x1xf32>, vector<512x1xf32> -> vector<512x4xf32>
    %cos3A = math.cos %concatenate3A : vector<512x4xf32>
    %sin3A = math.sin %concatenate3A : vector<512x4xf32>
    %concatenate3A_22 = tpu.concatenate %cos3A, %sin3A in 1 : vector<512x4xf32>, vector<512x4xf32> -> vector<512x8xf32>
    %slice3A_23 = vector.extract_strided_slice %add3A {offsets = [0, 1], sizes = [512, 1], strides = [1, 1]} : vector<512x2xf32> to vector<512x1xf32>
    %mul3A_24 = arith.constant 1.000000e+00 : f32
    %mul3A_25 = vector.broadcast %mul3A_24 : f32 to vector<512x1xf32>
    %mul3A_26 = arith.mulf %slice3A_23, %mul3A_25 : vector<512x1xf32>
    %mul3A_27 = arith.constant 1.000000e-01 : f32
    %mul3A_28 = vector.broadcast %mul3A_27 : f32 to vector<512x1xf32>
    %mul3A_29 = arith.mulf %slice3A_23, %mul3A_28 : vector<512x1xf32>
    %mul3A_30 = arith.constant 0.00999999977 : f32
    %mul3A_31 = vector.broadcast %mul3A_30 : f32 to vector<512x1xf32>
    %mul3A_32 = arith.mulf %slice3A_23, %mul3A_31 : vector<512x1xf32>
    %mul3A_33 = arith.constant 9.99999931E-4 : f32
    %mul3A_34 = vector.broadcast %mul3A_33 : f32 to vector<512x1xf32>
    %mul3A_35 = arith.mulf %slice3A_23, %mul3A_34 : vector<512x1xf32>
    %concatenate3A_36 = tpu.concatenate %mul3A_26, %mul3A_29, %mul3A_32, %mul3A_35 in 1 : vector<512x1xf32>, vector<512x1xf32>, vector<512x1xf32>, vector<512x1xf32> -> vector<512x4xf32>
    %cos3A_37 = math.cos %concatenate3A_36 : vector<512x4xf32>
    %sin3A_38 = math.sin %concatenate3A_36 : vector<512x4xf32>
    %concatenate3A_39 = tpu.concatenate %cos3A_37, %sin3A_38 in 1 : vector<512x4xf32>, vector<512x4xf32> -> vector<512x8xf32>
    %concatenate3A_40 = tpu.concatenate %concatenate3A_22, %concatenate3A_39 in 1 : vector<512x8xf32>, vector<512x8xf32> -> vector<512x16xf32>
    %get3A_41 = arith.constant 0 : index
    %get3A_42 = arith.constant 0 : index
    %get3A_43 = vector.load %arg4[%get3A_41, %get3A_42] : memref<512x3xf32, #tpu.memory_space<vmem>>, vector<512x3xf32>
    %concatenate3A_44 = tpu.concatenate %get3A_43, %concatenate3A_40 in 1 : vector<512x3xf32>, vector<512x16xf32> -> vector<512x19xf32>
    %get3A_45 = arith.constant 0 : index
    %get3A_46 = arith.constant 0 : index
    %get3A_47 = vector.load %arg5[%get3A_45, %get3A_46] : memref<19x64xf32, #tpu.memory_space<vmem>>, vector<19x64xf32>
    %dot_general3A = arith.constant dense<0.000000e+00> : vector<512x64xf32>
    %dot_general3A_48 = tpu.matmul %concatenate3A_44, %get3A_47, %dot_general3A {dimension_numbers = #tpu.dot_dimension_numbers<[1], [0], [0], [1], [0, 0, 1, 1], [], []>, transpose_lhs_hint = false} : vector<512x19xf32>, vector<19x64xf32>, vector<512x64xf32> -> vector<512x64xf32>
    %get3A_49 = arith.constant 0 : index
    %get3A_50 = arith.constant 0 : index
    %get3A_51 = vector.load %arg6[%get3A_49, %get3A_50] : memref<1x64xf32, #tpu.memory_space<vmem>>, vector<1x64xf32>
    %add3A_52 = vector.broadcast %get3A_51 : vector<1x64xf32> to vector<512x64xf32>
    %add3A_53 = arith.addf %dot_general3A_48, %add3A_52 : vector<512x64xf32>
    %broadcast_in_dim3A = arith.constant 0.000000e+00 : f32
    %broadcast_in_dim3A_54 = vector.broadcast %broadcast_in_dim3A : f32 to vector<512x62xf32>
    %concatenate3A_55 = tpu.concatenate %add3A_53, %add3A, %broadcast_in_dim3A_54 in 1 : vector<512x64xf32>, vector<512x2xf32>, vector<512x62xf32> -> vector<512x128xf32>
    %swap3A_56 = arith.constant 0 : index
    %swap3A_57 = arith.constant 0 : index
    %swap3A_58 = vector.load %arg12[%swap3A_56, %swap3A_57] : memref<512x128xf32, #tpu.memory_space<vmem>>, vector<512x128xf32>
    tpu.vector_store %arg12[%swap3A_56, %swap3A_57], %concatenate3A_55 {strides = array<i32>} : memref<512x128xf32, #tpu.memory_space<vmem>>, vector<512x128xf32>,
    %slice3A_59 = vector.extract_strided_slice %add3A_8 {offsets = [0, 0], sizes = [512, 1], strides = [1, 1]} : vector<512x2xf32> to vector<512x1xf32>
    %mul3A_60 = arith.constant 1.000000e+00 : f32
    %mul3A_61 = vector.broadcast %mul3A_60 : f32 to vector<512x1xf32>
    %mul3A_62 = arith.mulf %slice3A_59, %mul3A_61 : vector<512x1xf32>
    %mul3A_63 = arith.constant 1.000000e-01 : f32
    %mul3A_64 = vector.broadcast %mul3A_63 : f32 to vector<512x1xf32>
    %mul3A_65 = arith.mulf %slice3A_59, %mul3A_64 : vector<512x1xf32>
    %mul3A_66 = arith.constant 0.00999999977 : f32
    %mul3A_67 = vector.broadcast %mul3A_66 : f32 to vector<512x1xf32>
    %mul3A_68 = arith.mulf %slice3A_59, %mul3A_67 : vector<512x1xf32>
    %mul3A_69 = arith.constant 9.99999931E-4 : f32
    %mul3A_70 = vector.broadcast %mul3A_69 : f32 to vector<512x1xf32>
    %mul3A_71 = arith.mulf %slice3A_59, %mul3A_70 : vector<512x1xf32>
    %concatenate3A_72 = tpu.concatenate %mul3A_62, %mul3A_65, %mul3A_68, %mul3A_71 in 1 : vector<512x1xf32>, vector<512x1xf32>, vector<512x1xf32>, vector<512x1xf32> -> vector<512x4xf32>
    %cos3A_73 = math.cos %concatenate3A_72 : vector<512x4xf32>
    %sin3A_74 = math.sin %concatenate3A_72 : vector<512x4xf32>
    %concatenate3A_75 = tpu.concatenate %cos3A_73, %sin3A_74 in 1 : vector<512x4xf32>, vector<512x4xf32> -> vector<512x8xf32>
    %slice3A_76 = vector.extract_strided_slice %add3A_8 {offsets = [0, 1], sizes = [512, 1], strides = [1, 1]} : vector<512x2xf32> to vector<512x1xf32>
    %mul3A_77 = arith.constant 1.000000e+00 : f32
    %mul3A_78 = vector.broadcast %mul3A_77 : f32 to vector<512x1xf32>
    %mul3A_79 = arith.mulf %slice3A_76, %mul3A_78 : vector<512x1xf32>
    %mul3A_80 = arith.constant 1.000000e-01 : f32
    %mul3A_81 = vector.broadcast %mul3A_80 : f32 to vector<512x1xf32>
    %mul3A_82 = arith.mulf %slice3A_76, %mul3A_81 : vector<512x1xf32>
    %mul3A_83 = arith.constant 0.00999999977 : f32
    %mul3A_84 = vector.broadcast %mul3A_83 : f32 to vector<512x1xf32>
    %mul3A_85 = arith.mulf %slice3A_76, %mul3A_84 : vector<512x1xf32>
    %mul3A_86 = arith.constant 9.99999931E-4 : f32
    %mul3A_87 = vector.broadcast %mul3A_86 : f32 to vector<512x1xf32>
    %mul3A_88 = arith.mulf %slice3A_76, %mul3A_87 : vector<512x1xf32>
    %concatenate3A_89 = tpu.concatenate %mul3A_79, %mul3A_82, %mul3A_85, %mul3A_88 in 1 : vector<512x1xf32>, vector<512x1xf32>, vector<512x1xf32>, vector<512x1xf32> -> vector<512x4xf32>
    %cos3A_90 = math.cos %concatenate3A_89 : vector<512x4xf32>
    %sin3A_91 = math.sin %concatenate3A_89 : vector<512x4xf32>
    %concatenate3A_92 = tpu.concatenate %cos3A_90, %sin3A_91 in 1 : vector<512x4xf32>, vector<512x4xf32> -> vector<512x8xf32>
    %concatenate3A_93 = tpu.concatenate %concatenate3A_75, %concatenate3A_92 in 1 : vector<512x8xf32>, vector<512x8xf32> -> vector<512x16xf32>
    %concatenate3A_94 = tpu.concatenate %add3A_8, %concatenate3A_93 in 1 : vector<512x2xf32>, vector<512x16xf32> -> vector<512x18xf32>
    %get3A_95 = arith.constant 0 : index
    %get3A_96 = arith.constant 0 : index
    %get3A_97 = vector.load %arg7[%get3A_95, %get3A_96] : memref<18x64xf32, #tpu.memory_space<vmem>>, vector<18x64xf32>
    %dot_general3A_98 = arith.constant dense<0.000000e+00> : vector<512x64xf32>
    %dot_general3A_99 = tpu.matmul %concatenate3A_94, %get3A_97, %dot_general3A_98 {dimension_numbers = #tpu.dot_dimension_numbers<[1], [0], [0], [1], [0, 0, 1, 1], [], []>, transpose_lhs_hint = false} : vector<512x18xf32>, vector<18x64xf32>, vector<512x64xf32> -> vector<512x64xf32>
    %get3A_100 = arith.constant 0 : index
    %get3A_101 = arith.constant 0 : index
    %get3A_102 = vector.load %arg8[%get3A_100, %get3A_101] : memref<1x64xf32, #tpu.memory_space<vmem>>, vector<1x64xf32>
    %add3A_103 = vector.broadcast %get3A_102 : vector<1x64xf32> to vector<512x64xf32>
    %add3A_104 = arith.addf %dot_general3A_99, %add3A_103 : vector<512x64xf32>
    %max3A = arith.constant 0.000000e+00 : f32
    %max3A_105 = vector.broadcast %max3A : f32 to vector<512x64xf32>
    %max3A_106 = arith.maximumf %add3A_104, %max3A_105 : vector<512x64xf32>
    %get3A_107 = arith.constant 0 : index
    %get3A_108 = arith.constant 0 : index
    %get3A_109 = vector.load %arg9[%get3A_107, %get3A_108] : memref<64x192xf32, #tpu.memory_space<vmem>>, vector<64x192xf32>
    %dot_general3A_110 = arith.constant dense<0.000000e+00> : vector<512x192xf32>
    %dot_general3A_111 = tpu.matmul %max3A_106, %get3A_109, %dot_general3A_110 {dimension_numbers = #tpu.dot_dimension_numbers<[1], [0], [0], [1], [0, 0, 1, 1], [], []>, transpose_lhs_hint = false} : vector<512x64xf32>, vector<64x192xf32>, vector<512x192xf32> -> vector<512x192xf32>
    %get3A_112 = arith.constant 0 : index
    %get3A_113 = arith.constant 0 : index
    %get3A_114 = vector.load %arg10[%get3A_112, %get3A_113] : memref<1x192xf32, #tpu.memory_space<vmem>>, vector<1x192xf32>
    %add3A_115 = vector.broadcast %get3A_114 : vector<1x192xf32> to vector<512x192xf32>
    %add3A_116 = arith.addf %dot_general3A_111, %add3A_115 : vector<512x192xf32>
    %max3A_117 = arith.constant 0.000000e+00 : f32
    %max3A_118 = vector.broadcast %max3A_117 : f32 to vector<512x192xf32>
    %max3A_119 = arith.maximumf %add3A_116, %max3A_118 : vector<512x192xf32>
    %swap3A_120 = arith.constant 0 : index
    %swap3A_121 = arith.constant 0 : index
    %swap3A_122 = vector.load %arg13[%swap3A_120, %swap3A_121] : memref<512x192xf32, #tpu.memory_space<vmem>>, vector<512x192xf32>
    tpu.vector_store %arg13[%swap3A_120, %swap3A_121], %max3A_119 {strides = array<i32>} : memref<512x192xf32, #tpu.memory_space<vmem>>, vector<512x192xf32>,
    return
  }
  func.func @transform_0(%arg0: i32) -> (i32, i32) {
    %c0_i32 = arith.constant 0 : i32
    %c0_i32_0 = arith.constant 0 : i32
    return %arg0, %c0_i32 : i32, i32
  }
  func.func @transform_1(%arg0: i32) -> (i32, i32) {
    %c0_i32 = arith.constant 0 : i32
    %c0_i32_0 = arith.constant 0 : i32
    return %arg0, %c0_i32 : i32, i32
  }
  func.func @transform_2(%arg0: i32) -> (i32, i32) {
    %c0_i32 = arith.constant 0 : i32
    %c0_i32_0 = arith.constant 0 : i32
    return %arg0, %c0_i32 : i32, i32
  }
  func.func @transform_3(%arg0: i32) -> (i32, i32) {
    %c0_i32 = arith.constant 0 : i32
    %c0_i32_0 = arith.constant 0 : i32
    return %arg0, %c0_i32 : i32, i32
  }
  func.func @transform_4(%arg0: i32) -> (i32, i32) {
    %c0_i32 = arith.constant 0 : i32
    %c0_i32_0 = arith.constant 0 : i32
    %c0_i32_1 = arith.constant 0 : i32
    return %c0_i32, %c0_i32_0 : i32, i32
  }
  func.func @transform_5(%arg0: i32) -> (i32, i32) {
    %c0_i32 = arith.constant 0 : i32
    %c0_i32_0 = arith.constant 0 : i32
    %c0_i32_1 = arith.constant 0 : i32
    return %c0_i32, %c0_i32_0 : i32, i32
  }
  func.func @transform_6(%arg0: i32) -> (i32, i32) {
    %c0_i32 = arith.constant 0 : i32
    %c0_i32_0 = arith.constant 0 : i32
    %c0_i32_1 = arith.constant 0 : i32
    return %c0_i32, %c0_i32_0 : i32, i32
  }
  func.func @transform_7(%arg0: i32) -> (i32, i32) {
    %c0_i32 = arith.constant 0 : i32
    %c0_i32_0 = arith.constant 0 : i32
    %c0_i32_1 = arith.constant 0 : i32
    return %c0_i32, %c0_i32_0 : i32, i32
  }
  func.func @transform_8(%arg0: i32) -> (i32, i32) {
    %c0_i32 = arith.constant 0 : i32
    %c0_i32_0 = arith.constant 0 : i32
    %c0_i32_1 = arith.constant 0 : i32
    return %c0_i32, %c0_i32_0 : i32, i32
  }
  func.func @transform_9(%arg0: i32) -> (i32, i32) {
    %c0_i32 = arith.constant 0 : i32
    %c0_i32_0 = arith.constant 0 : i32
    %c0_i32_1 = arith.constant 0 : i32
    return %c0_i32, %c0_i32_0 : i32, i32
  }
  func.func @transform_10(%arg0: i32) -> (i32, i32) {
    %c0_i32 = arith.constant 0 : i32
    %c0_i32_0 = arith.constant 0 : i32
    return %arg0, %c0_i32 : i32, i32
  }
  func.func @transform_11(%arg0: i32) -> (i32, i32) {
    %c0_i32 = arith.constant 0 : i32
    %c0_i32_0 = arith.constant 0 : i32
    return %arg0, %c0_i32 : i32, i32
  }
  func.func @transform_12(%arg0: i32) -> (i32, i32) {
    %c0_i32 = arith.constant 0 : i32
    %c0_i32_0 = arith.constant 0 : i32
    return %arg0, %c0_i32 : i32, i32
  }
}

module attributes {stable_mosaic.version = 14 : i64} {
  func.func @_knn_body(%arg0: i32, %arg1: memref<128x1xf32, #tpu.memory_space<vmem>>, %arg2: memref<128x1xf32, #tpu.memory_space<vmem>>, %arg3: memref<1x10112xf32, #tpu.memory_space<vmem>>, %arg4: memref<1x10112xf32, #tpu.memory_space<vmem>>, %arg5: memref<1264x8xf32, #tpu.memory_space<vmem>>, %arg6: memref<1264x8xf32, #tpu.memory_space<vmem>>, %arg7: memref<128x16xi32, #tpu.memory_space<vmem>>) attributes {dimension_semantics = [#tpu.dimension_semantics<arbitrary>], iteration_bounds = array<i64: 80>, scalar_prefetch = 0 : i64, scratch_operands = 0 : i64, tpu.core_type = #tpu.core_type<tc>, window_params = [{transform_indices = @transform_0, window_bounds = array<i64: 128, 1>}, {transform_indices = @transform_1, window_bounds = array<i64: 128, 1>}, {pipeline_mode = #tpu.pipeline_mode<synchronous>, transform_indices = @transform_2, window_bounds = array<i64: 1, 10112>}, {pipeline_mode = #tpu.pipeline_mode<synchronous>, transform_indices = @transform_3, window_bounds = array<i64: 1, 10112>}, {pipeline_mode = #tpu.pipeline_mode<synchronous>, transform_indices = @transform_4, window_bounds = array<i64: 1264, 8>}, {pipeline_mode = #tpu.pipeline_mode<synchronous>, transform_indices = @transform_5, window_bounds = array<i64: 1264, 8>}, {transform_indices = @transform_6, window_bounds = array<i64: 128, 16>}]} {
    %get3A = arith.constant 0 : index
    %get3A_0 = arith.constant 0 : index
    %get3A_1 = vector.load %arg1[%get3A, %get3A_0] : memref<128x1xf32, #tpu.memory_space<vmem>>, vector<128x1xf32>
    %get3A_2 = arith.constant 0 : index
    %get3A_3 = arith.constant 0 : index
    %get3A_4 = vector.load %arg2[%get3A_2, %get3A_3] : memref<128x1xf32, #tpu.memory_space<vmem>>, vector<128x1xf32>
    %get3A_5 = arith.constant 0 : index
    %get3A_6 = arith.constant 0 : index
    %get3A_7 = vector.load %arg3[%get3A_5, %get3A_6] : memref<1x10112xf32, #tpu.memory_space<vmem>>, vector<1x10112xf32>
    %sub3A = vector.broadcast %get3A_1 : vector<128x1xf32> to vector<128x10112xf32>
    %sub3A_8 = vector.broadcast %get3A_7 : vector<1x10112xf32> to vector<128x10112xf32>
    %sub3A_9 = arith.subf %sub3A, %sub3A_8 : vector<128x10112xf32>
    %get3A_10 = arith.constant 0 : index
    %get3A_11 = arith.constant 0 : index
    %get3A_12 = vector.load %arg4[%get3A_10, %get3A_11] : memref<1x10112xf32, #tpu.memory_space<vmem>>, vector<1x10112xf32>
    %sub3A_13 = vector.broadcast %get3A_4 : vector<128x1xf32> to vector<128x10112xf32>
    %sub3A_14 = vector.broadcast %get3A_12 : vector<1x10112xf32> to vector<128x10112xf32>
    %sub3A_15 = arith.subf %sub3A_13, %sub3A_14 : vector<128x10112xf32>
    %mul3A = arith.mulf %sub3A_9, %sub3A_9 : vector<128x10112xf32>
    %mul3A_16 = arith.mulf %sub3A_15, %sub3A_15 : vector<128x10112xf32>
    %add3A = arith.addf %mul3A, %mul3A_16 : vector<128x10112xf32>
    %slice3A = vector.extract_strided_slice %add3A {offsets = [0, 0], sizes = [128, 1264], strides = [1, 1]} : vector<128x10112xf32> to vector<128x1264xf32>
    %slice3A_17 = vector.extract_strided_slice %add3A {offsets = [0, 1264], sizes = [128, 1264], strides = [1, 1]} : vector<128x10112xf32> to vector<128x1264xf32>
    %min3A = arith.minimumf %slice3A, %slice3A_17 : vector<128x1264xf32>
    %slice3A_18 = vector.extract_strided_slice %add3A {offsets = [0, 2528], sizes = [128, 1264], strides = [1, 1]} : vector<128x10112xf32> to vector<128x1264xf32>
    %min3A_19 = arith.minimumf %min3A, %slice3A_18 : vector<128x1264xf32>
    %slice3A_20 = vector.extract_strided_slice %add3A {offsets = [0, 3792], sizes = [128, 1264], strides = [1, 1]} : vector<128x10112xf32> to vector<128x1264xf32>
    %min3A_21 = arith.minimumf %min3A_19, %slice3A_20 : vector<128x1264xf32>
    %slice3A_22 = vector.extract_strided_slice %add3A {offsets = [0, 5056], sizes = [128, 1264], strides = [1, 1]} : vector<128x10112xf32> to vector<128x1264xf32>
    %min3A_23 = arith.minimumf %min3A_21, %slice3A_22 : vector<128x1264xf32>
    %slice3A_24 = vector.extract_strided_slice %add3A {offsets = [0, 6320], sizes = [128, 1264], strides = [1, 1]} : vector<128x10112xf32> to vector<128x1264xf32>
    %min3A_25 = arith.minimumf %min3A_23, %slice3A_24 : vector<128x1264xf32>
    %slice3A_26 = vector.extract_strided_slice %add3A {offsets = [0, 7584], sizes = [128, 1264], strides = [1, 1]} : vector<128x10112xf32> to vector<128x1264xf32>
    %min3A_27 = arith.minimumf %min3A_25, %slice3A_26 : vector<128x1264xf32>
    %slice3A_28 = vector.extract_strided_slice %add3A {offsets = [0, 8848], sizes = [128, 1264], strides = [1, 1]} : vector<128x10112xf32> to vector<128x1264xf32>
    %min3A_29 = arith.minimumf %min3A_27, %slice3A_28 : vector<128x1264xf32>
    %iota3A = tpu.iota {dimensions = array<i32: 1>} : vector<128x1264xi32>
    %reduce_min3A = arith.constant dense<0x7F800000> : vector<128xf32>
    %reduce_min3A_30 = vector.multi_reduction <minimumf>, %min3A_29, %reduce_min3A [1] : vector<128x1264xf32> to vector<128xf32>
    %broadcast_in_dim3A = vector.shape_cast %reduce_min3A_30 : vector<128xf32> to vector<128x1xf32>
    %eq3A = vector.broadcast %broadcast_in_dim3A : vector<128x1xf32> to vector<128x1264xf32>
    %eq3A_31 = arith.cmpf oeq, %min3A_29, %eq3A : vector<128x1264xf32>
    %jit3A = arith.constant 1073741824 : i32
    %broadcast_in_dim3A_32 = vector.broadcast %jit3A : i32 to vector<128x1264xi32>
    %select_n3A = arith.select %eq3A_31, %iota3A, %broadcast_in_dim3A_32 : vector<128x1264xi1>, vector<128x1264xi32>
    %reduce_min3A_33 = arith.constant dense<2147483647> : vector<128xi32>
    %reduce_min3A_34 = vector.multi_reduction <minsi>, %select_n3A, %reduce_min3A_33 [1] : vector<128x1264xi32> to vector<128xi32>
    %broadcast_in_dim3A_35 = vector.shape_cast %reduce_min3A_34 : vector<128xi32> to vector<128x1xi32>
    %eq3A_36 = vector.broadcast %broadcast_in_dim3A_35 : vector<128x1xi32> to vector<128x1264xi32>
    %eq3A_37 = arith.cmpi eq, %iota3A, %eq3A_36 : vector<128x1264xi32>
    %jit3A_38 = arith.constant 0x7F800000 : f32
    %broadcast_in_dim3A_39 = vector.broadcast %jit3A_38 : f32 to vector<128x1264xf32>
    %select_n3A_40 = arith.select %eq3A_37, %broadcast_in_dim3A_39, %min3A_29 : vector<128x1264xi1>, vector<128x1264xf32>
    %reduce_min3A_41 = arith.constant dense<0x7F800000> : vector<128xf32>
    %reduce_min3A_42 = vector.multi_reduction <minimumf>, %select_n3A_40, %reduce_min3A_41 [1] : vector<128x1264xf32> to vector<128xf32>
    %broadcast_in_dim3A_43 = vector.shape_cast %reduce_min3A_42 : vector<128xf32> to vector<128x1xf32>
    %eq3A_44 = vector.broadcast %broadcast_in_dim3A_43 : vector<128x1xf32> to vector<128x1264xf32>
    %eq3A_45 = arith.cmpf oeq, %select_n3A_40, %eq3A_44 : vector<128x1264xf32>
    %jit3A_46 = arith.constant 1073741824 : i32
    %broadcast_in_dim3A_47 = vector.broadcast %jit3A_46 : i32 to vector<128x1264xi32>
    %select_n3A_48 = arith.select %eq3A_45, %iota3A, %broadcast_in_dim3A_47 : vector<128x1264xi1>, vector<128x1264xi32>
    %reduce_min3A_49 = arith.constant dense<2147483647> : vector<128xi32>
    %reduce_min3A_50 = vector.multi_reduction <minsi>, %select_n3A_48, %reduce_min3A_49 [1] : vector<128x1264xi32> to vector<128xi32>
    %broadcast_in_dim3A_51 = vector.shape_cast %reduce_min3A_50 : vector<128xi32> to vector<128x1xi32>
    %eq3A_52 = vector.broadcast %broadcast_in_dim3A_51 : vector<128x1xi32> to vector<128x1264xi32>
    %eq3A_53 = arith.cmpi eq, %iota3A, %eq3A_52 : vector<128x1264xi32>
    %jit3A_54 = arith.constant 0x7F800000 : f32
    %broadcast_in_dim3A_55 = vector.broadcast %jit3A_54 : f32 to vector<128x1264xf32>
    %select_n3A_56 = arith.select %eq3A_53, %broadcast_in_dim3A_55, %select_n3A_40 : vector<128x1264xi1>, vector<128x1264xf32>
    %reduce_min3A_57 = arith.constant dense<0x7F800000> : vector<128xf32>
    %reduce_min3A_58 = vector.multi_reduction <minimumf>, %select_n3A_56, %reduce_min3A_57 [1] : vector<128x1264xf32> to vector<128xf32>
    %broadcast_in_dim3A_59 = vector.shape_cast %reduce_min3A_58 : vector<128xf32> to vector<128x1xf32>
    %eq3A_60 = vector.broadcast %broadcast_in_dim3A_59 : vector<128x1xf32> to vector<128x1264xf32>
    %eq3A_61 = arith.cmpf oeq, %select_n3A_56, %eq3A_60 : vector<128x1264xf32>
    %jit3A_62 = arith.constant 1073741824 : i32
    %broadcast_in_dim3A_63 = vector.broadcast %jit3A_62 : i32 to vector<128x1264xi32>
    %select_n3A_64 = arith.select %eq3A_61, %iota3A, %broadcast_in_dim3A_63 : vector<128x1264xi1>, vector<128x1264xi32>
    %reduce_min3A_65 = arith.constant dense<2147483647> : vector<128xi32>
    %reduce_min3A_66 = vector.multi_reduction <minsi>, %select_n3A_64, %reduce_min3A_65 [1] : vector<128x1264xi32> to vector<128xi32>
    %broadcast_in_dim3A_67 = vector.shape_cast %reduce_min3A_66 : vector<128xi32> to vector<128x1xi32>
    %eq3A_68 = vector.broadcast %broadcast_in_dim3A_67 : vector<128x1xi32> to vector<128x1264xi32>
    %eq3A_69 = arith.cmpi eq, %iota3A, %eq3A_68 : vector<128x1264xi32>
    %jit3A_70 = arith.constant 0x7F800000 : f32
    %broadcast_in_dim3A_71 = vector.broadcast %jit3A_70 : f32 to vector<128x1264xf32>
    %select_n3A_72 = arith.select %eq3A_69, %broadcast_in_dim3A_71, %select_n3A_56 : vector<128x1264xi1>, vector<128x1264xf32>
    %reduce_min3A_73 = arith.constant dense<0x7F800000> : vector<128xf32>
    %reduce_min3A_74 = vector.multi_reduction <minimumf>, %select_n3A_72, %reduce_min3A_73 [1] : vector<128x1264xf32> to vector<128xf32>
    %broadcast_in_dim3A_75 = vector.shape_cast %reduce_min3A_74 : vector<128xf32> to vector<128x1xf32>
    %eq3A_76 = vector.broadcast %broadcast_in_dim3A_75 : vector<128x1xf32> to vector<128x1264xf32>
    %eq3A_77 = arith.cmpf oeq, %select_n3A_72, %eq3A_76 : vector<128x1264xf32>
    %jit3A_78 = arith.constant 1073741824 : i32
    %broadcast_in_dim3A_79 = vector.broadcast %jit3A_78 : i32 to vector<128x1264xi32>
    %select_n3A_80 = arith.select %eq3A_77, %iota3A, %broadcast_in_dim3A_79 : vector<128x1264xi1>, vector<128x1264xi32>
    %reduce_min3A_81 = arith.constant dense<2147483647> : vector<128xi32>
    %reduce_min3A_82 = vector.multi_reduction <minsi>, %select_n3A_80, %reduce_min3A_81 [1] : vector<128x1264xi32> to vector<128xi32>
    %broadcast_in_dim3A_83 = vector.shape_cast %reduce_min3A_82 : vector<128xi32> to vector<128x1xi32>
    %eq3A_84 = vector.broadcast %broadcast_in_dim3A_83 : vector<128x1xi32> to vector<128x1264xi32>
    %eq3A_85 = arith.cmpi eq, %iota3A, %eq3A_84 : vector<128x1264xi32>
    %jit3A_86 = arith.constant 0x7F800000 : f32
    %broadcast_in_dim3A_87 = vector.broadcast %jit3A_86 : f32 to vector<128x1264xf32>
    %select_n3A_88 = arith.select %eq3A_85, %broadcast_in_dim3A_87, %select_n3A_72 : vector<128x1264xi1>, vector<128x1264xf32>
    %reduce_min3A_89 = arith.constant dense<0x7F800000> : vector<128xf32>
    %reduce_min3A_90 = vector.multi_reduction <minimumf>, %select_n3A_88, %reduce_min3A_89 [1] : vector<128x1264xf32> to vector<128xf32>
    %broadcast_in_dim3A_91 = vector.shape_cast %reduce_min3A_90 : vector<128xf32> to vector<128x1xf32>
    %eq3A_92 = vector.broadcast %broadcast_in_dim3A_91 : vector<128x1xf32> to vector<128x1264xf32>
    %eq3A_93 = arith.cmpf oeq, %select_n3A_88, %eq3A_92 : vector<128x1264xf32>
    %jit3A_94 = arith.constant 1073741824 : i32
    %broadcast_in_dim3A_95 = vector.broadcast %jit3A_94 : i32 to vector<128x1264xi32>
    %select_n3A_96 = arith.select %eq3A_93, %iota3A, %broadcast_in_dim3A_95 : vector<128x1264xi1>, vector<128x1264xi32>
    %reduce_min3A_97 = arith.constant dense<2147483647> : vector<128xi32>
    %reduce_min3A_98 = vector.multi_reduction <minsi>, %select_n3A_96, %reduce_min3A_97 [1] : vector<128x1264xi32> to vector<128xi32>
    %broadcast_in_dim3A_99 = vector.shape_cast %reduce_min3A_98 : vector<128xi32> to vector<128x1xi32>
    %eq3A_100 = vector.broadcast %broadcast_in_dim3A_99 : vector<128x1xi32> to vector<128x1264xi32>
    %eq3A_101 = arith.cmpi eq, %iota3A, %eq3A_100 : vector<128x1264xi32>
    %jit3A_102 = arith.constant 0x7F800000 : f32
    %broadcast_in_dim3A_103 = vector.broadcast %jit3A_102 : f32 to vector<128x1264xf32>
    %select_n3A_104 = arith.select %eq3A_101, %broadcast_in_dim3A_103, %select_n3A_88 : vector<128x1264xi1>, vector<128x1264xf32>
    %reduce_min3A_105 = arith.constant dense<0x7F800000> : vector<128xf32>
    %reduce_min3A_106 = vector.multi_reduction <minimumf>, %select_n3A_104, %reduce_min3A_105 [1] : vector<128x1264xf32> to vector<128xf32>
    %broadcast_in_dim3A_107 = vector.shape_cast %reduce_min3A_106 : vector<128xf32> to vector<128x1xf32>
    %eq3A_108 = vector.broadcast %broadcast_in_dim3A_107 : vector<128x1xf32> to vector<128x1264xf32>
    %eq3A_109 = arith.cmpf oeq, %select_n3A_104, %eq3A_108 : vector<128x1264xf32>
    %jit3A_110 = arith.constant 1073741824 : i32
    %broadcast_in_dim3A_111 = vector.broadcast %jit3A_110 : i32 to vector<128x1264xi32>
    %select_n3A_112 = arith.select %eq3A_109, %iota3A, %broadcast_in_dim3A_111 : vector<128x1264xi1>, vector<128x1264xi32>
    %reduce_min3A_113 = arith.constant dense<2147483647> : vector<128xi32>
    %reduce_min3A_114 = vector.multi_reduction <minsi>, %select_n3A_112, %reduce_min3A_113 [1] : vector<128x1264xi32> to vector<128xi32>
    %broadcast_in_dim3A_115 = vector.shape_cast %reduce_min3A_114 : vector<128xi32> to vector<128x1xi32>
    %eq3A_116 = vector.broadcast %broadcast_in_dim3A_115 : vector<128x1xi32> to vector<128x1264xi32>
    %eq3A_117 = arith.cmpi eq, %iota3A, %eq3A_116 : vector<128x1264xi32>
    %jit3A_118 = arith.constant 0x7F800000 : f32
    %broadcast_in_dim3A_119 = vector.broadcast %jit3A_118 : f32 to vector<128x1264xf32>
    %select_n3A_120 = arith.select %eq3A_117, %broadcast_in_dim3A_119, %select_n3A_104 : vector<128x1264xi1>, vector<128x1264xf32>
    %reduce_min3A_121 = arith.constant dense<0x7F800000> : vector<128xf32>
    %reduce_min3A_122 = vector.multi_reduction <minimumf>, %select_n3A_120, %reduce_min3A_121 [1] : vector<128x1264xf32> to vector<128xf32>
    %broadcast_in_dim3A_123 = vector.shape_cast %reduce_min3A_122 : vector<128xf32> to vector<128x1xf32>
    %eq3A_124 = vector.broadcast %broadcast_in_dim3A_123 : vector<128x1xf32> to vector<128x1264xf32>
    %eq3A_125 = arith.cmpf oeq, %select_n3A_120, %eq3A_124 : vector<128x1264xf32>
    %jit3A_126 = arith.constant 1073741824 : i32
    %broadcast_in_dim3A_127 = vector.broadcast %jit3A_126 : i32 to vector<128x1264xi32>
    %select_n3A_128 = arith.select %eq3A_125, %iota3A, %broadcast_in_dim3A_127 : vector<128x1264xi1>, vector<128x1264xi32>
    %reduce_min3A_129 = arith.constant dense<2147483647> : vector<128xi32>
    %reduce_min3A_130 = vector.multi_reduction <minsi>, %select_n3A_128, %reduce_min3A_129 [1] : vector<128x1264xi32> to vector<128xi32>
    %broadcast_in_dim3A_131 = vector.shape_cast %reduce_min3A_130 : vector<128xi32> to vector<128x1xi32>
    %eq3A_132 = vector.broadcast %broadcast_in_dim3A_131 : vector<128x1xi32> to vector<128x1264xi32>
    %eq3A_133 = arith.cmpi eq, %iota3A, %eq3A_132 : vector<128x1264xi32>
    %jit3A_134 = arith.constant 0x7F800000 : f32
    %broadcast_in_dim3A_135 = vector.broadcast %jit3A_134 : f32 to vector<128x1264xf32>
    %select_n3A_136 = arith.select %eq3A_133, %broadcast_in_dim3A_135, %select_n3A_120 : vector<128x1264xi1>, vector<128x1264xf32>
    %reduce_min3A_137 = arith.constant dense<0x7F800000> : vector<128xf32>
    %reduce_min3A_138 = vector.multi_reduction <minimumf>, %select_n3A_136, %reduce_min3A_137 [1] : vector<128x1264xf32> to vector<128xf32>
    %broadcast_in_dim3A_139 = vector.shape_cast %reduce_min3A_138 : vector<128xf32> to vector<128x1xf32>
    %eq3A_140 = vector.broadcast %broadcast_in_dim3A_139 : vector<128x1xf32> to vector<128x1264xf32>
    %eq3A_141 = arith.cmpf oeq, %select_n3A_136, %eq3A_140 : vector<128x1264xf32>
    %jit3A_142 = arith.constant 1073741824 : i32
    %broadcast_in_dim3A_143 = vector.broadcast %jit3A_142 : i32 to vector<128x1264xi32>
    %select_n3A_144 = arith.select %eq3A_141, %iota3A, %broadcast_in_dim3A_143 : vector<128x1264xi1>, vector<128x1264xi32>
    %reduce_min3A_145 = arith.constant dense<2147483647> : vector<128xi32>
    %reduce_min3A_146 = vector.multi_reduction <minsi>, %select_n3A_144, %reduce_min3A_145 [1] : vector<128x1264xi32> to vector<128xi32>
    %broadcast_in_dim3A_147 = vector.shape_cast %reduce_min3A_146 : vector<128xi32> to vector<128x1xi32>
    %eq3A_148 = vector.broadcast %broadcast_in_dim3A_147 : vector<128x1xi32> to vector<128x1264xi32>
    %eq3A_149 = arith.cmpi eq, %iota3A, %eq3A_148 : vector<128x1264xi32>
    %jit3A_150 = arith.constant 0x7F800000 : f32
    %broadcast_in_dim3A_151 = vector.broadcast %jit3A_150 : f32 to vector<128x1264xf32>
    %select_n3A_152 = arith.select %eq3A_149, %broadcast_in_dim3A_151, %select_n3A_136 : vector<128x1264xi1>, vector<128x1264xf32>
    %reduce_min3A_153 = arith.constant dense<0x7F800000> : vector<128xf32>
    %reduce_min3A_154 = vector.multi_reduction <minimumf>, %select_n3A_152, %reduce_min3A_153 [1] : vector<128x1264xf32> to vector<128xf32>
    %broadcast_in_dim3A_155 = vector.shape_cast %reduce_min3A_154 : vector<128xf32> to vector<128x1xf32>
    %eq3A_156 = vector.broadcast %broadcast_in_dim3A_155 : vector<128x1xf32> to vector<128x1264xf32>
    %eq3A_157 = arith.cmpf oeq, %select_n3A_152, %eq3A_156 : vector<128x1264xf32>
    %jit3A_158 = arith.constant 1073741824 : i32
    %broadcast_in_dim3A_159 = vector.broadcast %jit3A_158 : i32 to vector<128x1264xi32>
    %select_n3A_160 = arith.select %eq3A_157, %iota3A, %broadcast_in_dim3A_159 : vector<128x1264xi1>, vector<128x1264xi32>
    %reduce_min3A_161 = arith.constant dense<2147483647> : vector<128xi32>
    %reduce_min3A_162 = vector.multi_reduction <minsi>, %select_n3A_160, %reduce_min3A_161 [1] : vector<128x1264xi32> to vector<128xi32>
    %broadcast_in_dim3A_163 = vector.shape_cast %reduce_min3A_162 : vector<128xi32> to vector<128x1xi32>
    %eq3A_164 = vector.broadcast %broadcast_in_dim3A_163 : vector<128x1xi32> to vector<128x1264xi32>
    %eq3A_165 = arith.cmpi eq, %iota3A, %eq3A_164 : vector<128x1264xi32>
    %jit3A_166 = arith.constant 0x7F800000 : f32
    %broadcast_in_dim3A_167 = vector.broadcast %jit3A_166 : f32 to vector<128x1264xf32>
    %select_n3A_168 = arith.select %eq3A_165, %broadcast_in_dim3A_167, %select_n3A_152 : vector<128x1264xi1>, vector<128x1264xf32>
    %reduce_min3A_169 = arith.constant dense<0x7F800000> : vector<128xf32>
    %reduce_min3A_170 = vector.multi_reduction <minimumf>, %select_n3A_168, %reduce_min3A_169 [1] : vector<128x1264xf32> to vector<128xf32>
    %broadcast_in_dim3A_171 = vector.shape_cast %reduce_min3A_170 : vector<128xf32> to vector<128x1xf32>
    %eq3A_172 = vector.broadcast %broadcast_in_dim3A_171 : vector<128x1xf32> to vector<128x1264xf32>
    %eq3A_173 = arith.cmpf oeq, %select_n3A_168, %eq3A_172 : vector<128x1264xf32>
    %jit3A_174 = arith.constant 1073741824 : i32
    %broadcast_in_dim3A_175 = vector.broadcast %jit3A_174 : i32 to vector<128x1264xi32>
    %select_n3A_176 = arith.select %eq3A_173, %iota3A, %broadcast_in_dim3A_175 : vector<128x1264xi1>, vector<128x1264xi32>
    %reduce_min3A_177 = arith.constant dense<2147483647> : vector<128xi32>
    %reduce_min3A_178 = vector.multi_reduction <minsi>, %select_n3A_176, %reduce_min3A_177 [1] : vector<128x1264xi32> to vector<128xi32>
    %broadcast_in_dim3A_179 = vector.shape_cast %reduce_min3A_178 : vector<128xi32> to vector<128x1xi32>
    %iota3A_180 = tpu.iota {dimensions = array<i32: 1>} : vector<128x8xi32>
    %eq3A_181 = vector.broadcast %broadcast_in_dim3A_35 : vector<128x1xi32> to vector<128x1264xi32>
    %eq3A_182 = arith.cmpi eq, %iota3A, %eq3A_181 : vector<128x1264xi32>
    %convert_element_type3A = arith.extui %eq3A_182 : vector<128x1264xi1> to vector<128x1264xi32>
    %convert_element_type3A_183 = arith.sitofp %convert_element_type3A : vector<128x1264xi32> to vector<128x1264xf32>
    %get3A_184 = arith.constant 0 : index
    %get3A_185 = arith.constant 0 : index
    %get3A_186 = vector.load %arg5[%get3A_184, %get3A_185] : memref<1264x8xf32, #tpu.memory_space<vmem>>, vector<1264x8xf32>
    %dot_general3A = arith.constant dense<0.000000e+00> : vector<128x8xf32>
    %dot_general3A_187 = tpu.matmul %convert_element_type3A_183, %get3A_186, %dot_general3A {dimension_numbers = #tpu.dot_dimension_numbers<[1], [0], [0], [1], [0, 0, 1, 1], [], []>, precision = #tpu.contract_precision<fp32>, transpose_lhs_hint = false} : vector<128x1264xf32>, vector<1264x8xf32>, vector<128x8xf32> -> vector<128x8xf32>
    %get3A_188 = arith.constant 0 : index
    %get3A_189 = arith.constant 0 : index
    %get3A_190 = vector.load %arg6[%get3A_188, %get3A_189] : memref<1264x8xf32, #tpu.memory_space<vmem>>, vector<1264x8xf32>
    %dot_general3A_191 = arith.constant dense<0.000000e+00> : vector<128x8xf32>
    %dot_general3A_192 = tpu.matmul %convert_element_type3A_183, %get3A_190, %dot_general3A_191 {dimension_numbers = #tpu.dot_dimension_numbers<[1], [0], [0], [1], [0, 0, 1, 1], [], []>, precision = #tpu.contract_precision<fp32>, transpose_lhs_hint = false} : vector<128x1264xf32>, vector<1264x8xf32>, vector<128x8xf32> -> vector<128x8xf32>
    %mul3A_193 = arith.constant 1264 : i32
    %mul3A_194 = vector.broadcast %mul3A_193 : i32 to vector<128x8xi32>
    %mul3A_195 = arith.muli %iota3A_180, %mul3A_194 : vector<128x8xi32>
    %add3A_196 = vector.broadcast %broadcast_in_dim3A_35 : vector<128x1xi32> to vector<128x8xi32>
    %add3A_197 = arith.addi %add3A_196, %mul3A_195 : vector<128x8xi32>
    %eq3A_198 = vector.broadcast %broadcast_in_dim3A_51 : vector<128x1xi32> to vector<128x1264xi32>
    %eq3A_199 = arith.cmpi eq, %iota3A, %eq3A_198 : vector<128x1264xi32>
    %convert_element_type3A_200 = arith.extui %eq3A_199 : vector<128x1264xi1> to vector<128x1264xi32>
    %convert_element_type3A_201 = arith.sitofp %convert_element_type3A_200 : vector<128x1264xi32> to vector<128x1264xf32>
    %get3A_202 = arith.constant 0 : index
    %get3A_203 = arith.constant 0 : index
    %get3A_204 = vector.load %arg5[%get3A_202, %get3A_203] : memref<1264x8xf32, #tpu.memory_space<vmem>>, vector<1264x8xf32>
    %dot_general3A_205 = arith.constant dense<0.000000e+00> : vector<128x8xf32>
    %dot_general3A_206 = tpu.matmul %convert_element_type3A_201, %get3A_204, %dot_general3A_205 {dimension_numbers = #tpu.dot_dimension_numbers<[1], [0], [0], [1], [0, 0, 1, 1], [], []>, precision = #tpu.contract_precision<fp32>, transpose_lhs_hint = false} : vector<128x1264xf32>, vector<1264x8xf32>, vector<128x8xf32> -> vector<128x8xf32>
    %get3A_207 = arith.constant 0 : index
    %get3A_208 = arith.constant 0 : index
    %get3A_209 = vector.load %arg6[%get3A_207, %get3A_208] : memref<1264x8xf32, #tpu.memory_space<vmem>>, vector<1264x8xf32>
    %dot_general3A_210 = arith.constant dense<0.000000e+00> : vector<128x8xf32>
    %dot_general3A_211 = tpu.matmul %convert_element_type3A_201, %get3A_209, %dot_general3A_210 {dimension_numbers = #tpu.dot_dimension_numbers<[1], [0], [0], [1], [0, 0, 1, 1], [], []>, precision = #tpu.contract_precision<fp32>, transpose_lhs_hint = false} : vector<128x1264xf32>, vector<1264x8xf32>, vector<128x8xf32> -> vector<128x8xf32>
    %mul3A_212 = arith.constant 1264 : i32
    %mul3A_213 = vector.broadcast %mul3A_212 : i32 to vector<128x8xi32>
    %mul3A_214 = arith.muli %iota3A_180, %mul3A_213 : vector<128x8xi32>
    %add3A_215 = vector.broadcast %broadcast_in_dim3A_51 : vector<128x1xi32> to vector<128x8xi32>
    %add3A_216 = arith.addi %add3A_215, %mul3A_214 : vector<128x8xi32>
    %eq3A_217 = vector.broadcast %broadcast_in_dim3A_67 : vector<128x1xi32> to vector<128x1264xi32>
    %eq3A_218 = arith.cmpi eq, %iota3A, %eq3A_217 : vector<128x1264xi32>
    %convert_element_type3A_219 = arith.extui %eq3A_218 : vector<128x1264xi1> to vector<128x1264xi32>
    %convert_element_type3A_220 = arith.sitofp %convert_element_type3A_219 : vector<128x1264xi32> to vector<128x1264xf32>
    %get3A_221 = arith.constant 0 : index
    %get3A_222 = arith.constant 0 : index
    %get3A_223 = vector.load %arg5[%get3A_221, %get3A_222] : memref<1264x8xf32, #tpu.memory_space<vmem>>, vector<1264x8xf32>
    %dot_general3A_224 = arith.constant dense<0.000000e+00> : vector<128x8xf32>
    %dot_general3A_225 = tpu.matmul %convert_element_type3A_220, %get3A_223, %dot_general3A_224 {dimension_numbers = #tpu.dot_dimension_numbers<[1], [0], [0], [1], [0, 0, 1, 1], [], []>, precision = #tpu.contract_precision<fp32>, transpose_lhs_hint = false} : vector<128x1264xf32>, vector<1264x8xf32>, vector<128x8xf32> -> vector<128x8xf32>
    %get3A_226 = arith.constant 0 : index
    %get3A_227 = arith.constant 0 : index
    %get3A_228 = vector.load %arg6[%get3A_226, %get3A_227] : memref<1264x8xf32, #tpu.memory_space<vmem>>, vector<1264x8xf32>
    %dot_general3A_229 = arith.constant dense<0.000000e+00> : vector<128x8xf32>
    %dot_general3A_230 = tpu.matmul %convert_element_type3A_220, %get3A_228, %dot_general3A_229 {dimension_numbers = #tpu.dot_dimension_numbers<[1], [0], [0], [1], [0, 0, 1, 1], [], []>, precision = #tpu.contract_precision<fp32>, transpose_lhs_hint = false} : vector<128x1264xf32>, vector<1264x8xf32>, vector<128x8xf32> -> vector<128x8xf32>
    %mul3A_231 = arith.constant 1264 : i32
    %mul3A_232 = vector.broadcast %mul3A_231 : i32 to vector<128x8xi32>
    %mul3A_233 = arith.muli %iota3A_180, %mul3A_232 : vector<128x8xi32>
    %add3A_234 = vector.broadcast %broadcast_in_dim3A_67 : vector<128x1xi32> to vector<128x8xi32>
    %add3A_235 = arith.addi %add3A_234, %mul3A_233 : vector<128x8xi32>
    %eq3A_236 = vector.broadcast %broadcast_in_dim3A_83 : vector<128x1xi32> to vector<128x1264xi32>
    %eq3A_237 = arith.cmpi eq, %iota3A, %eq3A_236 : vector<128x1264xi32>
    %convert_element_type3A_238 = arith.extui %eq3A_237 : vector<128x1264xi1> to vector<128x1264xi32>
    %convert_element_type3A_239 = arith.sitofp %convert_element_type3A_238 : vector<128x1264xi32> to vector<128x1264xf32>
    %get3A_240 = arith.constant 0 : index
    %get3A_241 = arith.constant 0 : index
    %get3A_242 = vector.load %arg5[%get3A_240, %get3A_241] : memref<1264x8xf32, #tpu.memory_space<vmem>>, vector<1264x8xf32>
    %dot_general3A_243 = arith.constant dense<0.000000e+00> : vector<128x8xf32>
    %dot_general3A_244 = tpu.matmul %convert_element_type3A_239, %get3A_242, %dot_general3A_243 {dimension_numbers = #tpu.dot_dimension_numbers<[1], [0], [0], [1], [0, 0, 1, 1], [], []>, precision = #tpu.contract_precision<fp32>, transpose_lhs_hint = false} : vector<128x1264xf32>, vector<1264x8xf32>, vector<128x8xf32> -> vector<128x8xf32>
    %get3A_245 = arith.constant 0 : index
    %get3A_246 = arith.constant 0 : index
    %get3A_247 = vector.load %arg6[%get3A_245, %get3A_246] : memref<1264x8xf32, #tpu.memory_space<vmem>>, vector<1264x8xf32>
    %dot_general3A_248 = arith.constant dense<0.000000e+00> : vector<128x8xf32>
    %dot_general3A_249 = tpu.matmul %convert_element_type3A_239, %get3A_247, %dot_general3A_248 {dimension_numbers = #tpu.dot_dimension_numbers<[1], [0], [0], [1], [0, 0, 1, 1], [], []>, precision = #tpu.contract_precision<fp32>, transpose_lhs_hint = false} : vector<128x1264xf32>, vector<1264x8xf32>, vector<128x8xf32> -> vector<128x8xf32>
    %mul3A_250 = arith.constant 1264 : i32
    %mul3A_251 = vector.broadcast %mul3A_250 : i32 to vector<128x8xi32>
    %mul3A_252 = arith.muli %iota3A_180, %mul3A_251 : vector<128x8xi32>
    %add3A_253 = vector.broadcast %broadcast_in_dim3A_83 : vector<128x1xi32> to vector<128x8xi32>
    %add3A_254 = arith.addi %add3A_253, %mul3A_252 : vector<128x8xi32>
    %eq3A_255 = vector.broadcast %broadcast_in_dim3A_99 : vector<128x1xi32> to vector<128x1264xi32>
    %eq3A_256 = arith.cmpi eq, %iota3A, %eq3A_255 : vector<128x1264xi32>
    %convert_element_type3A_257 = arith.extui %eq3A_256 : vector<128x1264xi1> to vector<128x1264xi32>
    %convert_element_type3A_258 = arith.sitofp %convert_element_type3A_257 : vector<128x1264xi32> to vector<128x1264xf32>
    %get3A_259 = arith.constant 0 : index
    %get3A_260 = arith.constant 0 : index
    %get3A_261 = vector.load %arg5[%get3A_259, %get3A_260] : memref<1264x8xf32, #tpu.memory_space<vmem>>, vector<1264x8xf32>
    %dot_general3A_262 = arith.constant dense<0.000000e+00> : vector<128x8xf32>
    %dot_general3A_263 = tpu.matmul %convert_element_type3A_258, %get3A_261, %dot_general3A_262 {dimension_numbers = #tpu.dot_dimension_numbers<[1], [0], [0], [1], [0, 0, 1, 1], [], []>, precision = #tpu.contract_precision<fp32>, transpose_lhs_hint = false} : vector<128x1264xf32>, vector<1264x8xf32>, vector<128x8xf32> -> vector<128x8xf32>
    %get3A_264 = arith.constant 0 : index
    %get3A_265 = arith.constant 0 : index
    %get3A_266 = vector.load %arg6[%get3A_264, %get3A_265] : memref<1264x8xf32, #tpu.memory_space<vmem>>, vector<1264x8xf32>
    %dot_general3A_267 = arith.constant dense<0.000000e+00> : vector<128x8xf32>
    %dot_general3A_268 = tpu.matmul %convert_element_type3A_258, %get3A_266, %dot_general3A_267 {dimension_numbers = #tpu.dot_dimension_numbers<[1], [0], [0], [1], [0, 0, 1, 1], [], []>, precision = #tpu.contract_precision<fp32>, transpose_lhs_hint = false} : vector<128x1264xf32>, vector<1264x8xf32>, vector<128x8xf32> -> vector<128x8xf32>
    %mul3A_269 = arith.constant 1264 : i32
    %mul3A_270 = vector.broadcast %mul3A_269 : i32 to vector<128x8xi32>
    %mul3A_271 = arith.muli %iota3A_180, %mul3A_270 : vector<128x8xi32>
    %add3A_272 = vector.broadcast %broadcast_in_dim3A_99 : vector<128x1xi32> to vector<128x8xi32>
    %add3A_273 = arith.addi %add3A_272, %mul3A_271 : vector<128x8xi32>
    %eq3A_274 = vector.broadcast %broadcast_in_dim3A_115 : vector<128x1xi32> to vector<128x1264xi32>
    %eq3A_275 = arith.cmpi eq, %iota3A, %eq3A_274 : vector<128x1264xi32>
    %convert_element_type3A_276 = arith.extui %eq3A_275 : vector<128x1264xi1> to vector<128x1264xi32>
    %convert_element_type3A_277 = arith.sitofp %convert_element_type3A_276 : vector<128x1264xi32> to vector<128x1264xf32>
    %get3A_278 = arith.constant 0 : index
    %get3A_279 = arith.constant 0 : index
    %get3A_280 = vector.load %arg5[%get3A_278, %get3A_279] : memref<1264x8xf32, #tpu.memory_space<vmem>>, vector<1264x8xf32>
    %dot_general3A_281 = arith.constant dense<0.000000e+00> : vector<128x8xf32>
    %dot_general3A_282 = tpu.matmul %convert_element_type3A_277, %get3A_280, %dot_general3A_281 {dimension_numbers = #tpu.dot_dimension_numbers<[1], [0], [0], [1], [0, 0, 1, 1], [], []>, precision = #tpu.contract_precision<fp32>, transpose_lhs_hint = false} : vector<128x1264xf32>, vector<1264x8xf32>, vector<128x8xf32> -> vector<128x8xf32>
    %get3A_283 = arith.constant 0 : index
    %get3A_284 = arith.constant 0 : index
    %get3A_285 = vector.load %arg6[%get3A_283, %get3A_284] : memref<1264x8xf32, #tpu.memory_space<vmem>>, vector<1264x8xf32>
    %dot_general3A_286 = arith.constant dense<0.000000e+00> : vector<128x8xf32>
    %dot_general3A_287 = tpu.matmul %convert_element_type3A_277, %get3A_285, %dot_general3A_286 {dimension_numbers = #tpu.dot_dimension_numbers<[1], [0], [0], [1], [0, 0, 1, 1], [], []>, precision = #tpu.contract_precision<fp32>, transpose_lhs_hint = false} : vector<128x1264xf32>, vector<1264x8xf32>, vector<128x8xf32> -> vector<128x8xf32>
    %mul3A_288 = arith.constant 1264 : i32
    %mul3A_289 = vector.broadcast %mul3A_288 : i32 to vector<128x8xi32>
    %mul3A_290 = arith.muli %iota3A_180, %mul3A_289 : vector<128x8xi32>
    %add3A_291 = vector.broadcast %broadcast_in_dim3A_115 : vector<128x1xi32> to vector<128x8xi32>
    %add3A_292 = arith.addi %add3A_291, %mul3A_290 : vector<128x8xi32>
    %eq3A_293 = vector.broadcast %broadcast_in_dim3A_131 : vector<128x1xi32> to vector<128x1264xi32>
    %eq3A_294 = arith.cmpi eq, %iota3A, %eq3A_293 : vector<128x1264xi32>
    %convert_element_type3A_295 = arith.extui %eq3A_294 : vector<128x1264xi1> to vector<128x1264xi32>
    %convert_element_type3A_296 = arith.sitofp %convert_element_type3A_295 : vector<128x1264xi32> to vector<128x1264xf32>
    %get3A_297 = arith.constant 0 : index
    %get3A_298 = arith.constant 0 : index
    %get3A_299 = vector.load %arg5[%get3A_297, %get3A_298] : memref<1264x8xf32, #tpu.memory_space<vmem>>, vector<1264x8xf32>
    %dot_general3A_300 = arith.constant dense<0.000000e+00> : vector<128x8xf32>
    %dot_general3A_301 = tpu.matmul %convert_element_type3A_296, %get3A_299, %dot_general3A_300 {dimension_numbers = #tpu.dot_dimension_numbers<[1], [0], [0], [1], [0, 0, 1, 1], [], []>, precision = #tpu.contract_precision<fp32>, transpose_lhs_hint = false} : vector<128x1264xf32>, vector<1264x8xf32>, vector<128x8xf32> -> vector<128x8xf32>
    %get3A_302 = arith.constant 0 : index
    %get3A_303 = arith.constant 0 : index
    %get3A_304 = vector.load %arg6[%get3A_302, %get3A_303] : memref<1264x8xf32, #tpu.memory_space<vmem>>, vector<1264x8xf32>
    %dot_general3A_305 = arith.constant dense<0.000000e+00> : vector<128x8xf32>
    %dot_general3A_306 = tpu.matmul %convert_element_type3A_296, %get3A_304, %dot_general3A_305 {dimension_numbers = #tpu.dot_dimension_numbers<[1], [0], [0], [1], [0, 0, 1, 1], [], []>, precision = #tpu.contract_precision<fp32>, transpose_lhs_hint = false} : vector<128x1264xf32>, vector<1264x8xf32>, vector<128x8xf32> -> vector<128x8xf32>
    %mul3A_307 = arith.constant 1264 : i32
    %mul3A_308 = vector.broadcast %mul3A_307 : i32 to vector<128x8xi32>
    %mul3A_309 = arith.muli %iota3A_180, %mul3A_308 : vector<128x8xi32>
    %add3A_310 = vector.broadcast %broadcast_in_dim3A_131 : vector<128x1xi32> to vector<128x8xi32>
    %add3A_311 = arith.addi %add3A_310, %mul3A_309 : vector<128x8xi32>
    %eq3A_312 = vector.broadcast %broadcast_in_dim3A_147 : vector<128x1xi32> to vector<128x1264xi32>
    %eq3A_313 = arith.cmpi eq, %iota3A, %eq3A_312 : vector<128x1264xi32>
    %convert_element_type3A_314 = arith.extui %eq3A_313 : vector<128x1264xi1> to vector<128x1264xi32>
    %convert_element_type3A_315 = arith.sitofp %convert_element_type3A_314 : vector<128x1264xi32> to vector<128x1264xf32>
    %get3A_316 = arith.constant 0 : index
    %get3A_317 = arith.constant 0 : index
    %get3A_318 = vector.load %arg5[%get3A_316, %get3A_317] : memref<1264x8xf32, #tpu.memory_space<vmem>>, vector<1264x8xf32>
    %dot_general3A_319 = arith.constant dense<0.000000e+00> : vector<128x8xf32>
    %dot_general3A_320 = tpu.matmul %convert_element_type3A_315, %get3A_318, %dot_general3A_319 {dimension_numbers = #tpu.dot_dimension_numbers<[1], [0], [0], [1], [0, 0, 1, 1], [], []>, precision = #tpu.contract_precision<fp32>, transpose_lhs_hint = false} : vector<128x1264xf32>, vector<1264x8xf32>, vector<128x8xf32> -> vector<128x8xf32>
    %get3A_321 = arith.constant 0 : index
    %get3A_322 = arith.constant 0 : index
    %get3A_323 = vector.load %arg6[%get3A_321, %get3A_322] : memref<1264x8xf32, #tpu.memory_space<vmem>>, vector<1264x8xf32>
    %dot_general3A_324 = arith.constant dense<0.000000e+00> : vector<128x8xf32>
    %dot_general3A_325 = tpu.matmul %convert_element_type3A_315, %get3A_323, %dot_general3A_324 {dimension_numbers = #tpu.dot_dimension_numbers<[1], [0], [0], [1], [0, 0, 1, 1], [], []>, precision = #tpu.contract_precision<fp32>, transpose_lhs_hint = false} : vector<128x1264xf32>, vector<1264x8xf32>, vector<128x8xf32> -> vector<128x8xf32>
    %mul3A_326 = arith.constant 1264 : i32
    %mul3A_327 = vector.broadcast %mul3A_326 : i32 to vector<128x8xi32>
    %mul3A_328 = arith.muli %iota3A_180, %mul3A_327 : vector<128x8xi32>
    %add3A_329 = vector.broadcast %broadcast_in_dim3A_147 : vector<128x1xi32> to vector<128x8xi32>
    %add3A_330 = arith.addi %add3A_329, %mul3A_328 : vector<128x8xi32>
    %eq3A_331 = vector.broadcast %broadcast_in_dim3A_163 : vector<128x1xi32> to vector<128x1264xi32>
    %eq3A_332 = arith.cmpi eq, %iota3A, %eq3A_331 : vector<128x1264xi32>
    %convert_element_type3A_333 = arith.extui %eq3A_332 : vector<128x1264xi1> to vector<128x1264xi32>
    %convert_element_type3A_334 = arith.sitofp %convert_element_type3A_333 : vector<128x1264xi32> to vector<128x1264xf32>
    %get3A_335 = arith.constant 0 : index
    %get3A_336 = arith.constant 0 : index
    %get3A_337 = vector.load %arg5[%get3A_335, %get3A_336] : memref<1264x8xf32, #tpu.memory_space<vmem>>, vector<1264x8xf32>
    %dot_general3A_338 = arith.constant dense<0.000000e+00> : vector<128x8xf32>
    %dot_general3A_339 = tpu.matmul %convert_element_type3A_334, %get3A_337, %dot_general3A_338 {dimension_numbers = #tpu.dot_dimension_numbers<[1], [0], [0], [1], [0, 0, 1, 1], [], []>, precision = #tpu.contract_precision<fp32>, transpose_lhs_hint = false} : vector<128x1264xf32>, vector<1264x8xf32>, vector<128x8xf32> -> vector<128x8xf32>
    %get3A_340 = arith.constant 0 : index
    %get3A_341 = arith.constant 0 : index
    %get3A_342 = vector.load %arg6[%get3A_340, %get3A_341] : memref<1264x8xf32, #tpu.memory_space<vmem>>, vector<1264x8xf32>
    %dot_general3A_343 = arith.constant dense<0.000000e+00> : vector<128x8xf32>
    %dot_general3A_344 = tpu.matmul %convert_element_type3A_334, %get3A_342, %dot_general3A_343 {dimension_numbers = #tpu.dot_dimension_numbers<[1], [0], [0], [1], [0, 0, 1, 1], [], []>, precision = #tpu.contract_precision<fp32>, transpose_lhs_hint = false} : vector<128x1264xf32>, vector<1264x8xf32>, vector<128x8xf32> -> vector<128x8xf32>
    %mul3A_345 = arith.constant 1264 : i32
    %mul3A_346 = vector.broadcast %mul3A_345 : i32 to vector<128x8xi32>
    %mul3A_347 = arith.muli %iota3A_180, %mul3A_346 : vector<128x8xi32>
    %add3A_348 = vector.broadcast %broadcast_in_dim3A_163 : vector<128x1xi32> to vector<128x8xi32>
    %add3A_349 = arith.addi %add3A_348, %mul3A_347 : vector<128x8xi32>
    %eq3A_350 = vector.broadcast %broadcast_in_dim3A_179 : vector<128x1xi32> to vector<128x1264xi32>
    %eq3A_351 = arith.cmpi eq, %iota3A, %eq3A_350 : vector<128x1264xi32>
    %convert_element_type3A_352 = arith.extui %eq3A_351 : vector<128x1264xi1> to vector<128x1264xi32>
    %convert_element_type3A_353 = arith.sitofp %convert_element_type3A_352 : vector<128x1264xi32> to vector<128x1264xf32>
    %get3A_354 = arith.constant 0 : index
    %get3A_355 = arith.constant 0 : index
    %get3A_356 = vector.load %arg5[%get3A_354, %get3A_355] : memref<1264x8xf32, #tpu.memory_space<vmem>>, vector<1264x8xf32>
    %dot_general3A_357 = arith.constant dense<0.000000e+00> : vector<128x8xf32>
    %dot_general3A_358 = tpu.matmul %convert_element_type3A_353, %get3A_356, %dot_general3A_357 {dimension_numbers = #tpu.dot_dimension_numbers<[1], [0], [0], [1], [0, 0, 1, 1], [], []>, precision = #tpu.contract_precision<fp32>, transpose_lhs_hint = false} : vector<128x1264xf32>, vector<1264x8xf32>, vector<128x8xf32> -> vector<128x8xf32>
    %get3A_359 = arith.constant 0 : index
    %get3A_360 = arith.constant 0 : index
    %get3A_361 = vector.load %arg6[%get3A_359, %get3A_360] : memref<1264x8xf32, #tpu.memory_space<vmem>>, vector<1264x8xf32>
    %dot_general3A_362 = arith.constant dense<0.000000e+00> : vector<128x8xf32>
    %dot_general3A_363 = tpu.matmul %convert_element_type3A_353, %get3A_361, %dot_general3A_362 {dimension_numbers = #tpu.dot_dimension_numbers<[1], [0], [0], [1], [0, 0, 1, 1], [], []>, precision = #tpu.contract_precision<fp32>, transpose_lhs_hint = false} : vector<128x1264xf32>, vector<1264x8xf32>, vector<128x8xf32> -> vector<128x8xf32>
    %mul3A_364 = arith.constant 1264 : i32
    %mul3A_365 = vector.broadcast %mul3A_364 : i32 to vector<128x8xi32>
    %mul3A_366 = arith.muli %iota3A_180, %mul3A_365 : vector<128x8xi32>
    %add3A_367 = vector.broadcast %broadcast_in_dim3A_179 : vector<128x1xi32> to vector<128x8xi32>
    %add3A_368 = arith.addi %add3A_367, %mul3A_366 : vector<128x8xi32>
    %concatenate3A = tpu.concatenate %dot_general3A_187, %dot_general3A_206, %dot_general3A_225, %dot_general3A_244, %dot_general3A_263, %dot_general3A_282, %dot_general3A_301, %dot_general3A_320, %dot_general3A_339, %dot_general3A_358 in 1 : vector<128x8xf32>, vector<128x8xf32>, vector<128x8xf32>, vector<128x8xf32>, vector<128x8xf32>, vector<128x8xf32>, vector<128x8xf32>, vector<128x8xf32>, vector<128x8xf32>, vector<128x8xf32> -> vector<128x80xf32>
    %concatenate3A_369 = tpu.concatenate %dot_general3A_192, %dot_general3A_211, %dot_general3A_230, %dot_general3A_249, %dot_general3A_268, %dot_general3A_287, %dot_general3A_306, %dot_general3A_325, %dot_general3A_344, %dot_general3A_363 in 1 : vector<128x8xf32>, vector<128x8xf32>, vector<128x8xf32>, vector<128x8xf32>, vector<128x8xf32>, vector<128x8xf32>, vector<128x8xf32>, vector<128x8xf32>, vector<128x8xf32>, vector<128x8xf32> -> vector<128x80xf32>
    %concatenate3A_370 = tpu.concatenate %add3A_197, %add3A_216, %add3A_235, %add3A_254, %add3A_273, %add3A_292, %add3A_311, %add3A_330, %add3A_349, %add3A_368 in 1 : vector<128x8xi32>, vector<128x8xi32>, vector<128x8xi32>, vector<128x8xi32>, vector<128x8xi32>, vector<128x8xi32>, vector<128x8xi32>, vector<128x8xi32>, vector<128x8xi32>, vector<128x8xi32> -> vector<128x80xi32>
    %sub3A_371 = vector.broadcast %get3A_1 : vector<128x1xf32> to vector<128x80xf32>
    %sub3A_372 = arith.subf %sub3A_371, %concatenate3A : vector<128x80xf32>
    %sub3A_373 = vector.broadcast %get3A_4 : vector<128x1xf32> to vector<128x80xf32>
    %sub3A_374 = arith.subf %sub3A_373, %concatenate3A_369 : vector<128x80xf32>
    %mul3A_375 = arith.mulf %sub3A_372, %sub3A_372 : vector<128x80xf32>
    %mul3A_376 = arith.mulf %sub3A_374, %sub3A_374 : vector<128x80xf32>
    %add3A_377 = arith.addf %mul3A_375, %mul3A_376 : vector<128x80xf32>
    %reduce_min3A_378 = arith.constant dense<0x7F800000> : vector<128xf32>
    %reduce_min3A_379 = vector.multi_reduction <minimumf>, %add3A_377, %reduce_min3A_378 [1] : vector<128x80xf32> to vector<128xf32>
    %broadcast_in_dim3A_380 = vector.shape_cast %reduce_min3A_379 : vector<128xf32> to vector<128x1xf32>
    %eq3A_381 = vector.broadcast %broadcast_in_dim3A_380 : vector<128x1xf32> to vector<128x80xf32>
    %eq3A_382 = arith.cmpf oeq, %add3A_377, %eq3A_381 : vector<128x80xf32>
    %jit3A_383 = arith.constant 1073741824 : i32
    %broadcast_in_dim3A_384 = vector.broadcast %jit3A_383 : i32 to vector<128x80xi32>
    %select_n3A_385 = arith.select %eq3A_382, %concatenate3A_370, %broadcast_in_dim3A_384 : vector<128x80xi1>, vector<128x80xi32>
    %reduce_min3A_386 = arith.constant dense<2147483647> : vector<128xi32>
    %reduce_min3A_387 = vector.multi_reduction <minsi>, %select_n3A_385, %reduce_min3A_386 [1] : vector<128x80xi32> to vector<128xi32>
    %broadcast_in_dim3A_388 = vector.shape_cast %reduce_min3A_387 : vector<128xi32> to vector<128x1xi32>
    %eq3A_389 = vector.broadcast %broadcast_in_dim3A_388 : vector<128x1xi32> to vector<128x80xi32>
    %eq3A_390 = arith.cmpi eq, %concatenate3A_370, %eq3A_389 : vector<128x80xi32>
    %jit3A_391 = arith.constant 0x7F800000 : f32
    %broadcast_in_dim3A_392 = vector.broadcast %jit3A_391 : f32 to vector<128x80xf32>
    %select_n3A_393 = arith.select %eq3A_390, %broadcast_in_dim3A_392, %add3A_377 : vector<128x80xi1>, vector<128x80xf32>
    %reduce_min3A_394 = arith.constant dense<0x7F800000> : vector<128xf32>
    %reduce_min3A_395 = vector.multi_reduction <minimumf>, %select_n3A_393, %reduce_min3A_394 [1] : vector<128x80xf32> to vector<128xf32>
    %broadcast_in_dim3A_396 = vector.shape_cast %reduce_min3A_395 : vector<128xf32> to vector<128x1xf32>
    %eq3A_397 = vector.broadcast %broadcast_in_dim3A_396 : vector<128x1xf32> to vector<128x80xf32>
    %eq3A_398 = arith.cmpf oeq, %select_n3A_393, %eq3A_397 : vector<128x80xf32>
    %jit3A_399 = arith.constant 1073741824 : i32
    %broadcast_in_dim3A_400 = vector.broadcast %jit3A_399 : i32 to vector<128x80xi32>
    %select_n3A_401 = arith.select %eq3A_398, %concatenate3A_370, %broadcast_in_dim3A_400 : vector<128x80xi1>, vector<128x80xi32>
    %reduce_min3A_402 = arith.constant dense<2147483647> : vector<128xi32>
    %reduce_min3A_403 = vector.multi_reduction <minsi>, %select_n3A_401, %reduce_min3A_402 [1] : vector<128x80xi32> to vector<128xi32>
    %broadcast_in_dim3A_404 = vector.shape_cast %reduce_min3A_403 : vector<128xi32> to vector<128x1xi32>
    %eq3A_405 = vector.broadcast %broadcast_in_dim3A_404 : vector<128x1xi32> to vector<128x80xi32>
    %eq3A_406 = arith.cmpi eq, %concatenate3A_370, %eq3A_405 : vector<128x80xi32>
    %jit3A_407 = arith.constant 0x7F800000 : f32
    %broadcast_in_dim3A_408 = vector.broadcast %jit3A_407 : f32 to vector<128x80xf32>
    %select_n3A_409 = arith.select %eq3A_406, %broadcast_in_dim3A_408, %select_n3A_393 : vector<128x80xi1>, vector<128x80xf32>
    %reduce_min3A_410 = arith.constant dense<0x7F800000> : vector<128xf32>
    %reduce_min3A_411 = vector.multi_reduction <minimumf>, %select_n3A_409, %reduce_min3A_410 [1] : vector<128x80xf32> to vector<128xf32>
    %broadcast_in_dim3A_412 = vector.shape_cast %reduce_min3A_411 : vector<128xf32> to vector<128x1xf32>
    %eq3A_413 = vector.broadcast %broadcast_in_dim3A_412 : vector<128x1xf32> to vector<128x80xf32>
    %eq3A_414 = arith.cmpf oeq, %select_n3A_409, %eq3A_413 : vector<128x80xf32>
    %jit3A_415 = arith.constant 1073741824 : i32
    %broadcast_in_dim3A_416 = vector.broadcast %jit3A_415 : i32 to vector<128x80xi32>
    %select_n3A_417 = arith.select %eq3A_414, %concatenate3A_370, %broadcast_in_dim3A_416 : vector<128x80xi1>, vector<128x80xi32>
    %reduce_min3A_418 = arith.constant dense<2147483647> : vector<128xi32>
    %reduce_min3A_419 = vector.multi_reduction <minsi>, %select_n3A_417, %reduce_min3A_418 [1] : vector<128x80xi32> to vector<128xi32>
    %broadcast_in_dim3A_420 = vector.shape_cast %reduce_min3A_419 : vector<128xi32> to vector<128x1xi32>
    %eq3A_421 = vector.broadcast %broadcast_in_dim3A_420 : vector<128x1xi32> to vector<128x80xi32>
    %eq3A_422 = arith.cmpi eq, %concatenate3A_370, %eq3A_421 : vector<128x80xi32>
    %jit3A_423 = arith.constant 0x7F800000 : f32
    %broadcast_in_dim3A_424 = vector.broadcast %jit3A_423 : f32 to vector<128x80xf32>
    %select_n3A_425 = arith.select %eq3A_422, %broadcast_in_dim3A_424, %select_n3A_409 : vector<128x80xi1>, vector<128x80xf32>
    %reduce_min3A_426 = arith.constant dense<0x7F800000> : vector<128xf32>
    %reduce_min3A_427 = vector.multi_reduction <minimumf>, %select_n3A_425, %reduce_min3A_426 [1] : vector<128x80xf32> to vector<128xf32>
    %broadcast_in_dim3A_428 = vector.shape_cast %reduce_min3A_427 : vector<128xf32> to vector<128x1xf32>
    %eq3A_429 = vector.broadcast %broadcast_in_dim3A_428 : vector<128x1xf32> to vector<128x80xf32>
    %eq3A_430 = arith.cmpf oeq, %select_n3A_425, %eq3A_429 : vector<128x80xf32>
    %jit3A_431 = arith.constant 1073741824 : i32
    %broadcast_in_dim3A_432 = vector.broadcast %jit3A_431 : i32 to vector<128x80xi32>
    %select_n3A_433 = arith.select %eq3A_430, %concatenate3A_370, %broadcast_in_dim3A_432 : vector<128x80xi1>, vector<128x80xi32>
    %reduce_min3A_434 = arith.constant dense<2147483647> : vector<128xi32>
    %reduce_min3A_435 = vector.multi_reduction <minsi>, %select_n3A_433, %reduce_min3A_434 [1] : vector<128x80xi32> to vector<128xi32>
    %broadcast_in_dim3A_436 = vector.shape_cast %reduce_min3A_435 : vector<128xi32> to vector<128x1xi32>
    %eq3A_437 = vector.broadcast %broadcast_in_dim3A_436 : vector<128x1xi32> to vector<128x80xi32>
    %eq3A_438 = arith.cmpi eq, %concatenate3A_370, %eq3A_437 : vector<128x80xi32>
    %jit3A_439 = arith.constant 0x7F800000 : f32
    %broadcast_in_dim3A_440 = vector.broadcast %jit3A_439 : f32 to vector<128x80xf32>
    %select_n3A_441 = arith.select %eq3A_438, %broadcast_in_dim3A_440, %select_n3A_425 : vector<128x80xi1>, vector<128x80xf32>
    %reduce_min3A_442 = arith.constant dense<0x7F800000> : vector<128xf32>
    %reduce_min3A_443 = vector.multi_reduction <minimumf>, %select_n3A_441, %reduce_min3A_442 [1] : vector<128x80xf32> to vector<128xf32>
    %broadcast_in_dim3A_444 = vector.shape_cast %reduce_min3A_443 : vector<128xf32> to vector<128x1xf32>
    %eq3A_445 = vector.broadcast %broadcast_in_dim3A_444 : vector<128x1xf32> to vector<128x80xf32>
    %eq3A_446 = arith.cmpf oeq, %select_n3A_441, %eq3A_445 : vector<128x80xf32>
    %jit3A_447 = arith.constant 1073741824 : i32
    %broadcast_in_dim3A_448 = vector.broadcast %jit3A_447 : i32 to vector<128x80xi32>
    %select_n3A_449 = arith.select %eq3A_446, %concatenate3A_370, %broadcast_in_dim3A_448 : vector<128x80xi1>, vector<128x80xi32>
    %reduce_min3A_450 = arith.constant dense<2147483647> : vector<128xi32>
    %reduce_min3A_451 = vector.multi_reduction <minsi>, %select_n3A_449, %reduce_min3A_450 [1] : vector<128x80xi32> to vector<128xi32>
    %broadcast_in_dim3A_452 = vector.shape_cast %reduce_min3A_451 : vector<128xi32> to vector<128x1xi32>
    %eq3A_453 = vector.broadcast %broadcast_in_dim3A_452 : vector<128x1xi32> to vector<128x80xi32>
    %eq3A_454 = arith.cmpi eq, %concatenate3A_370, %eq3A_453 : vector<128x80xi32>
    %jit3A_455 = arith.constant 0x7F800000 : f32
    %broadcast_in_dim3A_456 = vector.broadcast %jit3A_455 : f32 to vector<128x80xf32>
    %select_n3A_457 = arith.select %eq3A_454, %broadcast_in_dim3A_456, %select_n3A_441 : vector<128x80xi1>, vector<128x80xf32>
    %reduce_min3A_458 = arith.constant dense<0x7F800000> : vector<128xf32>
    %reduce_min3A_459 = vector.multi_reduction <minimumf>, %select_n3A_457, %reduce_min3A_458 [1] : vector<128x80xf32> to vector<128xf32>
    %broadcast_in_dim3A_460 = vector.shape_cast %reduce_min3A_459 : vector<128xf32> to vector<128x1xf32>
    %eq3A_461 = vector.broadcast %broadcast_in_dim3A_460 : vector<128x1xf32> to vector<128x80xf32>
    %eq3A_462 = arith.cmpf oeq, %select_n3A_457, %eq3A_461 : vector<128x80xf32>
    %jit3A_463 = arith.constant 1073741824 : i32
    %broadcast_in_dim3A_464 = vector.broadcast %jit3A_463 : i32 to vector<128x80xi32>
    %select_n3A_465 = arith.select %eq3A_462, %concatenate3A_370, %broadcast_in_dim3A_464 : vector<128x80xi1>, vector<128x80xi32>
    %reduce_min3A_466 = arith.constant dense<2147483647> : vector<128xi32>
    %reduce_min3A_467 = vector.multi_reduction <minsi>, %select_n3A_465, %reduce_min3A_466 [1] : vector<128x80xi32> to vector<128xi32>
    %broadcast_in_dim3A_468 = vector.shape_cast %reduce_min3A_467 : vector<128xi32> to vector<128x1xi32>
    %eq3A_469 = vector.broadcast %broadcast_in_dim3A_468 : vector<128x1xi32> to vector<128x80xi32>
    %eq3A_470 = arith.cmpi eq, %concatenate3A_370, %eq3A_469 : vector<128x80xi32>
    %jit3A_471 = arith.constant 0x7F800000 : f32
    %broadcast_in_dim3A_472 = vector.broadcast %jit3A_471 : f32 to vector<128x80xf32>
    %select_n3A_473 = arith.select %eq3A_470, %broadcast_in_dim3A_472, %select_n3A_457 : vector<128x80xi1>, vector<128x80xf32>
    %reduce_min3A_474 = arith.constant dense<0x7F800000> : vector<128xf32>
    %reduce_min3A_475 = vector.multi_reduction <minimumf>, %select_n3A_473, %reduce_min3A_474 [1] : vector<128x80xf32> to vector<128xf32>
    %broadcast_in_dim3A_476 = vector.shape_cast %reduce_min3A_475 : vector<128xf32> to vector<128x1xf32>
    %eq3A_477 = vector.broadcast %broadcast_in_dim3A_476 : vector<128x1xf32> to vector<128x80xf32>
    %eq3A_478 = arith.cmpf oeq, %select_n3A_473, %eq3A_477 : vector<128x80xf32>
    %jit3A_479 = arith.constant 1073741824 : i32
    %broadcast_in_dim3A_480 = vector.broadcast %jit3A_479 : i32 to vector<128x80xi32>
    %select_n3A_481 = arith.select %eq3A_478, %concatenate3A_370, %broadcast_in_dim3A_480 : vector<128x80xi1>, vector<128x80xi32>
    %reduce_min3A_482 = arith.constant dense<2147483647> : vector<128xi32>
    %reduce_min3A_483 = vector.multi_reduction <minsi>, %select_n3A_481, %reduce_min3A_482 [1] : vector<128x80xi32> to vector<128xi32>
    %broadcast_in_dim3A_484 = vector.shape_cast %reduce_min3A_483 : vector<128xi32> to vector<128x1xi32>
    %eq3A_485 = vector.broadcast %broadcast_in_dim3A_484 : vector<128x1xi32> to vector<128x80xi32>
    %eq3A_486 = arith.cmpi eq, %concatenate3A_370, %eq3A_485 : vector<128x80xi32>
    %jit3A_487 = arith.constant 0x7F800000 : f32
    %broadcast_in_dim3A_488 = vector.broadcast %jit3A_487 : f32 to vector<128x80xf32>
    %select_n3A_489 = arith.select %eq3A_486, %broadcast_in_dim3A_488, %select_n3A_473 : vector<128x80xi1>, vector<128x80xf32>
    %reduce_min3A_490 = arith.constant dense<0x7F800000> : vector<128xf32>
    %reduce_min3A_491 = vector.multi_reduction <minimumf>, %select_n3A_489, %reduce_min3A_490 [1] : vector<128x80xf32> to vector<128xf32>
    %broadcast_in_dim3A_492 = vector.shape_cast %reduce_min3A_491 : vector<128xf32> to vector<128x1xf32>
    %eq3A_493 = vector.broadcast %broadcast_in_dim3A_492 : vector<128x1xf32> to vector<128x80xf32>
    %eq3A_494 = arith.cmpf oeq, %select_n3A_489, %eq3A_493 : vector<128x80xf32>
    %jit3A_495 = arith.constant 1073741824 : i32
    %broadcast_in_dim3A_496 = vector.broadcast %jit3A_495 : i32 to vector<128x80xi32>
    %select_n3A_497 = arith.select %eq3A_494, %concatenate3A_370, %broadcast_in_dim3A_496 : vector<128x80xi1>, vector<128x80xi32>
    %reduce_min3A_498 = arith.constant dense<2147483647> : vector<128xi32>
    %reduce_min3A_499 = vector.multi_reduction <minsi>, %select_n3A_497, %reduce_min3A_498 [1] : vector<128x80xi32> to vector<128xi32>
    %broadcast_in_dim3A_500 = vector.shape_cast %reduce_min3A_499 : vector<128xi32> to vector<128x1xi32>
    %eq3A_501 = vector.broadcast %broadcast_in_dim3A_500 : vector<128x1xi32> to vector<128x80xi32>
    %eq3A_502 = arith.cmpi eq, %concatenate3A_370, %eq3A_501 : vector<128x80xi32>
    %jit3A_503 = arith.constant 0x7F800000 : f32
    %broadcast_in_dim3A_504 = vector.broadcast %jit3A_503 : f32 to vector<128x80xf32>
    %select_n3A_505 = arith.select %eq3A_502, %broadcast_in_dim3A_504, %select_n3A_489 : vector<128x80xi1>, vector<128x80xf32>
    %reduce_min3A_506 = arith.constant dense<0x7F800000> : vector<128xf32>
    %reduce_min3A_507 = vector.multi_reduction <minimumf>, %select_n3A_505, %reduce_min3A_506 [1] : vector<128x80xf32> to vector<128xf32>
    %broadcast_in_dim3A_508 = vector.shape_cast %reduce_min3A_507 : vector<128xf32> to vector<128x1xf32>
    %eq3A_509 = vector.broadcast %broadcast_in_dim3A_508 : vector<128x1xf32> to vector<128x80xf32>
    %eq3A_510 = arith.cmpf oeq, %select_n3A_505, %eq3A_509 : vector<128x80xf32>
    %jit3A_511 = arith.constant 1073741824 : i32
    %broadcast_in_dim3A_512 = vector.broadcast %jit3A_511 : i32 to vector<128x80xi32>
    %select_n3A_513 = arith.select %eq3A_510, %concatenate3A_370, %broadcast_in_dim3A_512 : vector<128x80xi1>, vector<128x80xi32>
    %reduce_min3A_514 = arith.constant dense<2147483647> : vector<128xi32>
    %reduce_min3A_515 = vector.multi_reduction <minsi>, %select_n3A_513, %reduce_min3A_514 [1] : vector<128x80xi32> to vector<128xi32>
    %broadcast_in_dim3A_516 = vector.shape_cast %reduce_min3A_515 : vector<128xi32> to vector<128x1xi32>
    %eq3A_517 = vector.broadcast %broadcast_in_dim3A_516 : vector<128x1xi32> to vector<128x80xi32>
    %eq3A_518 = arith.cmpi eq, %concatenate3A_370, %eq3A_517 : vector<128x80xi32>
    %jit3A_519 = arith.constant 0x7F800000 : f32
    %broadcast_in_dim3A_520 = vector.broadcast %jit3A_519 : f32 to vector<128x80xf32>
    %select_n3A_521 = arith.select %eq3A_518, %broadcast_in_dim3A_520, %select_n3A_505 : vector<128x80xi1>, vector<128x80xf32>
    %reduce_min3A_522 = arith.constant dense<0x7F800000> : vector<128xf32>
    %reduce_min3A_523 = vector.multi_reduction <minimumf>, %select_n3A_521, %reduce_min3A_522 [1] : vector<128x80xf32> to vector<128xf32>
    %broadcast_in_dim3A_524 = vector.shape_cast %reduce_min3A_523 : vector<128xf32> to vector<128x1xf32>
    %eq3A_525 = vector.broadcast %broadcast_in_dim3A_524 : vector<128x1xf32> to vector<128x80xf32>
    %eq3A_526 = arith.cmpf oeq, %select_n3A_521, %eq3A_525 : vector<128x80xf32>
    %jit3A_527 = arith.constant 1073741824 : i32
    %broadcast_in_dim3A_528 = vector.broadcast %jit3A_527 : i32 to vector<128x80xi32>
    %select_n3A_529 = arith.select %eq3A_526, %concatenate3A_370, %broadcast_in_dim3A_528 : vector<128x80xi1>, vector<128x80xi32>
    %reduce_min3A_530 = arith.constant dense<2147483647> : vector<128xi32>
    %reduce_min3A_531 = vector.multi_reduction <minsi>, %select_n3A_529, %reduce_min3A_530 [1] : vector<128x80xi32> to vector<128xi32>
    %broadcast_in_dim3A_532 = vector.shape_cast %reduce_min3A_531 : vector<128xi32> to vector<128x1xi32>
    %broadcast_in_dim3A_533 = arith.constant 0 : i32
    %broadcast_in_dim3A_534 = vector.broadcast %broadcast_in_dim3A_533 : i32 to vector<128x6xi32>
    %concatenate3A_535 = tpu.concatenate %broadcast_in_dim3A_388, %broadcast_in_dim3A_404, %broadcast_in_dim3A_420, %broadcast_in_dim3A_436, %broadcast_in_dim3A_452, %broadcast_in_dim3A_468, %broadcast_in_dim3A_484, %broadcast_in_dim3A_500, %broadcast_in_dim3A_516, %broadcast_in_dim3A_532, %broadcast_in_dim3A_534 in 1 : vector<128x1xi32>, vector<128x1xi32>, vector<128x1xi32>, vector<128x1xi32>, vector<128x1xi32>, vector<128x1xi32>, vector<128x1xi32>, vector<128x1xi32>, vector<128x1xi32>, vector<128x1xi32>, vector<128x6xi32> -> vector<128x16xi32>
    %swap3A = arith.constant 0 : index
    %swap3A_536 = arith.constant 0 : index
    %swap3A_537 = vector.load %arg7[%swap3A, %swap3A_536] : memref<128x16xi32, #tpu.memory_space<vmem>>, vector<128x16xi32>
    tpu.vector_store %arg7[%swap3A, %swap3A_536], %concatenate3A_535 {strides = array<i32>} : memref<128x16xi32, #tpu.memory_space<vmem>>, vector<128x16xi32>,
    return
  }
  func.func @transform_0(%arg0: i32) -> (i32, i32) {
    %c0_i32 = arith.constant 0 : i32
    %c0_i32_0 = arith.constant 0 : i32
    return %arg0, %c0_i32 : i32, i32
  }
  func.func @transform_1(%arg0: i32) -> (i32, i32) {
    %c0_i32 = arith.constant 0 : i32
    %c0_i32_0 = arith.constant 0 : i32
    return %arg0, %c0_i32 : i32, i32
  }
  func.func @transform_2(%arg0: i32) -> (i32, i32) {
    %c0_i32 = arith.constant 0 : i32
    %c0_i32_0 = arith.constant 0 : i32
    %c0_i32_1 = arith.constant 0 : i32
    return %c0_i32, %c0_i32_0 : i32, i32
  }
  func.func @transform_3(%arg0: i32) -> (i32, i32) {
    %c0_i32 = arith.constant 0 : i32
    %c0_i32_0 = arith.constant 0 : i32
    %c0_i32_1 = arith.constant 0 : i32
    return %c0_i32, %c0_i32_0 : i32, i32
  }
  func.func @transform_4(%arg0: i32) -> (i32, i32) {
    %c0_i32 = arith.constant 0 : i32
    %c0_i32_0 = arith.constant 0 : i32
    %c0_i32_1 = arith.constant 0 : i32
    return %c0_i32, %c0_i32_0 : i32, i32
  }
  func.func @transform_5(%arg0: i32) -> (i32, i32) {
    %c0_i32 = arith.constant 0 : i32
    %c0_i32_0 = arith.constant 0 : i32
    %c0_i32_1 = arith.constant 0 : i32
    return %c0_i32, %c0_i32_0 : i32, i32
  }
  func.func @transform_6(%arg0: i32) -> (i32, i32) {
    %c0_i32 = arith.constant 0 : i32
    %c0_i32_0 = arith.constant 0 : i32
    return %arg0, %c0_i32 : i32, i32
  }
}

module attributes {stable_mosaic.version = 14 : i64} {
  func.func @_edge_body(%arg0: i32, %arg1: memref<10x512x128xf32, #tpu.memory_space<vmem>>, %arg2: memref<512x2xf32, #tpu.memory_space<vmem>>, %arg3: memref<4x64xf32, #tpu.memory_space<vmem>>, %arg4: memref<1x64xf32, #tpu.memory_space<vmem>>, %arg5: memref<64x64xf32, #tpu.memory_space<vmem>>, %arg6: memref<1x64xf32, #tpu.memory_space<vmem>>, %arg7: memref<64x64xf32, #tpu.memory_space<vmem>>, %arg8: memref<1x64xf32, #tpu.memory_space<vmem>>, %arg9: memref<1x64xf32, #tpu.memory_space<vmem>>, %arg10: memref<1x64xf32, #tpu.memory_space<vmem>>, %arg11: memref<512x64xf32, #tpu.memory_space<vmem>>) attributes {dimension_semantics = [#tpu.dimension_semantics<arbitrary>], iteration_bounds = array<i64: 20>, scalar_prefetch = 0 : i64, scratch_operands = 0 : i64, tpu.core_type = #tpu.core_type<tc>, window_params = [{transform_indices = @transform_0, window_bounds = array<i64: 10, 512, 128>}, {transform_indices = @transform_1, window_bounds = array<i64: 512, 2>}, {pipeline_mode = #tpu.pipeline_mode<synchronous>, transform_indices = @transform_2, window_bounds = array<i64: 4, 64>}, {pipeline_mode = #tpu.pipeline_mode<synchronous>, transform_indices = @transform_3, window_bounds = array<i64: 1, 64>}, {pipeline_mode = #tpu.pipeline_mode<synchronous>, transform_indices = @transform_4, window_bounds = array<i64: 64, 64>}, {pipeline_mode = #tpu.pipeline_mode<synchronous>, transform_indices = @transform_5, window_bounds = array<i64: 1, 64>}, {pipeline_mode = #tpu.pipeline_mode<synchronous>, transform_indices = @transform_6, window_bounds = array<i64: 64, 64>}, {pipeline_mode = #tpu.pipeline_mode<synchronous>, transform_indices = @transform_7, window_bounds = array<i64: 1, 64>}, {pipeline_mode = #tpu.pipeline_mode<synchronous>, transform_indices = @transform_8, window_bounds = array<i64: 1, 64>}, {pipeline_mode = #tpu.pipeline_mode<synchronous>, transform_indices = @transform_9, window_bounds = array<i64: 1, 64>}, {transform_indices = @transform_10, window_bounds = array<i64: 512, 64>}]} {
    %get3A = arith.constant 0 : index
    %get3A_0 = arith.constant 0 : index
    %get3A_1 = vector.load %arg2[%get3A, %get3A_0] : memref<512x2xf32, #tpu.memory_space<vmem>>, vector<512x2xf32>
    %broadcast_in_dim3A = arith.constant 0.000000e+00 : f32
    %broadcast_in_dim3A_2 = vector.broadcast %broadcast_in_dim3A : f32 to vector<512x64xf32>
    %get3A_3 = arith.constant 0 : index
    %get3A_4 = arith.constant 0 : index
    %get3A_5 = arith.constant 0 : index
    %get3A_6 = vector.load %arg1[%get3A_3, %get3A_4, %get3A_5] : memref<10x512x128xf32, #tpu.memory_space<vmem>>, vector<1x512x128xf32>
    %get3A_7 = vector.shape_cast %get3A_6 : vector<1x512x128xf32> to vector<512x128xf32>
    %slice3A = vector.extract_strided_slice %get3A_7 {offsets = [0, 0], sizes = [512, 64], strides = [1, 1]} : vector<512x128xf32> to vector<512x64xf32>
    %slice3A_8 = vector.extract_strided_slice %get3A_7 {offsets = [0, 64], sizes = [512, 2], strides = [1, 1]} : vector<512x128xf32> to vector<512x2xf32>
    %concatenate3A = tpu.concatenate %get3A_1, %slice3A_8 in 1 : vector<512x2xf32>, vector<512x2xf32> -> vector<512x4xf32>
    %get3A_9 = arith.constant 0 : index
    %get3A_10 = arith.constant 0 : index
    %get3A_11 = vector.load %arg3[%get3A_9, %get3A_10] : memref<4x64xf32, #tpu.memory_space<vmem>>, vector<4x64xf32>
    %dot_general3A = arith.constant dense<0.000000e+00> : vector<512x64xf32>
    %dot_general3A_12 = tpu.matmul %concatenate3A, %get3A_11, %dot_general3A {dimension_numbers = #tpu.dot_dimension_numbers<[1], [0], [0], [1], [0, 0, 1, 1], [], []>, transpose_lhs_hint = false} : vector<512x4xf32>, vector<4x64xf32>, vector<512x64xf32> -> vector<512x64xf32>
    %get3A_13 = arith.constant 0 : index
    %get3A_14 = arith.constant 0 : index
    %get3A_15 = vector.load %arg4[%get3A_13, %get3A_14] : memref<1x64xf32, #tpu.memory_space<vmem>>, vector<1x64xf32>
    %add3A = vector.broadcast %get3A_15 : vector<1x64xf32> to vector<512x64xf32>
    %add3A_16 = arith.addf %dot_general3A_12, %add3A : vector<512x64xf32>
    %integer_pow3A = arith.mulf %add3A_16, %add3A_16 : vector<512x64xf32>
    %integer_pow3A_17 = arith.mulf %add3A_16, %integer_pow3A : vector<512x64xf32>
    %mul3A = arith.constant 4.471500e-02 : f32
    %mul3A_18 = vector.broadcast %mul3A : f32 to vector<512x64xf32>
    %mul3A_19 = arith.mulf %mul3A_18, %integer_pow3A_17 : vector<512x64xf32>
    %add3A_20 = arith.addf %add3A_16, %mul3A_19 : vector<512x64xf32>
    %mul3A_21 = arith.constant 0.797884583 : f32
    %mul3A_22 = vector.broadcast %mul3A_21 : f32 to vector<512x64xf32>
    %mul3A_23 = arith.mulf %mul3A_22, %add3A_20 : vector<512x64xf32>
    %tanh3A = math.tanh %mul3A_23 : vector<512x64xf32>
    %add3A_24 = arith.constant 1.000000e+00 : f32
    %add3A_25 = vector.broadcast %add3A_24 : f32 to vector<512x64xf32>
    %add3A_26 = arith.addf %add3A_25, %tanh3A : vector<512x64xf32>
    %mul3A_27 = arith.constant 5.000000e-01 : f32
    %mul3A_28 = vector.broadcast %mul3A_27 : f32 to vector<512x64xf32>
    %mul3A_29 = arith.mulf %mul3A_28, %add3A_26 : vector<512x64xf32>
    %mul3A_30 = arith.mulf %add3A_16, %mul3A_29 : vector<512x64xf32>
    %get3A_31 = arith.constant 0 : index
    %get3A_32 = arith.constant 0 : index
    %get3A_33 = vector.load %arg5[%get3A_31, %get3A_32] : memref<64x64xf32, #tpu.memory_space<vmem>>, vector<64x64xf32>
    %dot_general3A_34 = arith.constant dense<0.000000e+00> : vector<512x64xf32>
    %dot_general3A_35 = tpu.matmul %mul3A_30, %get3A_33, %dot_general3A_34 {dimension_numbers = #tpu.dot_dimension_numbers<[1], [0], [0], [1], [0, 0, 1, 1], [], []>, transpose_lhs_hint = false} : vector<512x64xf32>, vector<64x64xf32>, vector<512x64xf32> -> vector<512x64xf32>
    %get3A_36 = arith.constant 0 : index
    %get3A_37 = arith.constant 0 : index
    %get3A_38 = vector.load %arg6[%get3A_36, %get3A_37] : memref<1x64xf32, #tpu.memory_space<vmem>>, vector<1x64xf32>
    %add3A_39 = vector.broadcast %get3A_38 : vector<1x64xf32> to vector<512x64xf32>
    %add3A_40 = arith.addf %dot_general3A_35, %add3A_39 : vector<512x64xf32>
    %mul3A_41 = arith.mulf %add3A_40, %slice3A : vector<512x64xf32>
    %add3A_42 = arith.addf %broadcast_in_dim3A_2, %mul3A_41 : vector<512x64xf32>
    %get3A_43 = arith.constant 1 : index
    %get3A_44 = arith.constant 0 : index
    %get3A_45 = arith.constant 0 : index
    %get3A_46 = vector.load %arg1[%get3A_43, %get3A_44, %get3A_45] : memref<10x512x128xf32, #tpu.memory_space<vmem>>, vector<1x512x128xf32>
    %get3A_47 = vector.shape_cast %get3A_46 : vector<1x512x128xf32> to vector<512x128xf32>
    %slice3A_48 = vector.extract_strided_slice %get3A_47 {offsets = [0, 0], sizes = [512, 64], strides = [1, 1]} : vector<512x128xf32> to vector<512x64xf32>
    %slice3A_49 = vector.extract_strided_slice %get3A_47 {offsets = [0, 64], sizes = [512, 2], strides = [1, 1]} : vector<512x128xf32> to vector<512x2xf32>
    %concatenate3A_50 = tpu.concatenate %get3A_1, %slice3A_49 in 1 : vector<512x2xf32>, vector<512x2xf32> -> vector<512x4xf32>
    %get3A_51 = arith.constant 0 : index
    %get3A_52 = arith.constant 0 : index
    %get3A_53 = vector.load %arg3[%get3A_51, %get3A_52] : memref<4x64xf32, #tpu.memory_space<vmem>>, vector<4x64xf32>
    %dot_general3A_54 = arith.constant dense<0.000000e+00> : vector<512x64xf32>
    %dot_general3A_55 = tpu.matmul %concatenate3A_50, %get3A_53, %dot_general3A_54 {dimension_numbers = #tpu.dot_dimension_numbers<[1], [0], [0], [1], [0, 0, 1, 1], [], []>, transpose_lhs_hint = false} : vector<512x4xf32>, vector<4x64xf32>, vector<512x64xf32> -> vector<512x64xf32>
    %get3A_56 = arith.constant 0 : index
    %get3A_57 = arith.constant 0 : index
    %get3A_58 = vector.load %arg4[%get3A_56, %get3A_57] : memref<1x64xf32, #tpu.memory_space<vmem>>, vector<1x64xf32>
    %add3A_59 = vector.broadcast %get3A_58 : vector<1x64xf32> to vector<512x64xf32>
    %add3A_60 = arith.addf %dot_general3A_55, %add3A_59 : vector<512x64xf32>
    %integer_pow3A_61 = arith.mulf %add3A_60, %add3A_60 : vector<512x64xf32>
    %integer_pow3A_62 = arith.mulf %add3A_60, %integer_pow3A_61 : vector<512x64xf32>
    %mul3A_63 = arith.constant 4.471500e-02 : f32
    %mul3A_64 = vector.broadcast %mul3A_63 : f32 to vector<512x64xf32>
    %mul3A_65 = arith.mulf %mul3A_64, %integer_pow3A_62 : vector<512x64xf32>
    %add3A_66 = arith.addf %add3A_60, %mul3A_65 : vector<512x64xf32>
    %mul3A_67 = arith.constant 0.797884583 : f32
    %mul3A_68 = vector.broadcast %mul3A_67 : f32 to vector<512x64xf32>
    %mul3A_69 = arith.mulf %mul3A_68, %add3A_66 : vector<512x64xf32>
    %tanh3A_70 = math.tanh %mul3A_69 : vector<512x64xf32>
    %add3A_71 = arith.constant 1.000000e+00 : f32
    %add3A_72 = vector.broadcast %add3A_71 : f32 to vector<512x64xf32>
    %add3A_73 = arith.addf %add3A_72, %tanh3A_70 : vector<512x64xf32>
    %mul3A_74 = arith.constant 5.000000e-01 : f32
    %mul3A_75 = vector.broadcast %mul3A_74 : f32 to vector<512x64xf32>
    %mul3A_76 = arith.mulf %mul3A_75, %add3A_73 : vector<512x64xf32>
    %mul3A_77 = arith.mulf %add3A_60, %mul3A_76 : vector<512x64xf32>
    %get3A_78 = arith.constant 0 : index
    %get3A_79 = arith.constant 0 : index
    %get3A_80 = vector.load %arg5[%get3A_78, %get3A_79] : memref<64x64xf32, #tpu.memory_space<vmem>>, vector<64x64xf32>
    %dot_general3A_81 = arith.constant dense<0.000000e+00> : vector<512x64xf32>
    %dot_general3A_82 = tpu.matmul %mul3A_77, %get3A_80, %dot_general3A_81 {dimension_numbers = #tpu.dot_dimension_numbers<[1], [0], [0], [1], [0, 0, 1, 1], [], []>, transpose_lhs_hint = false} : vector<512x64xf32>, vector<64x64xf32>, vector<512x64xf32> -> vector<512x64xf32>
    %get3A_83 = arith.constant 0 : index
    %get3A_84 = arith.constant 0 : index
    %get3A_85 = vector.load %arg6[%get3A_83, %get3A_84] : memref<1x64xf32, #tpu.memory_space<vmem>>, vector<1x64xf32>
    %add3A_86 = vector.broadcast %get3A_85 : vector<1x64xf32> to vector<512x64xf32>
    %add3A_87 = arith.addf %dot_general3A_82, %add3A_86 : vector<512x64xf32>
    %mul3A_88 = arith.mulf %add3A_87, %slice3A_48 : vector<512x64xf32>
    %add3A_89 = arith.addf %add3A_42, %mul3A_88 : vector<512x64xf32>
    %get3A_90 = arith.constant 2 : index
    %get3A_91 = arith.constant 0 : index
    %get3A_92 = arith.constant 0 : index
    %get3A_93 = vector.load %arg1[%get3A_90, %get3A_91, %get3A_92] : memref<10x512x128xf32, #tpu.memory_space<vmem>>, vector<1x512x128xf32>
    %get3A_94 = vector.shape_cast %get3A_93 : vector<1x512x128xf32> to vector<512x128xf32>
    %slice3A_95 = vector.extract_strided_slice %get3A_94 {offsets = [0, 0], sizes = [512, 64], strides = [1, 1]} : vector<512x128xf32> to vector<512x64xf32>
    %slice3A_96 = vector.extract_strided_slice %get3A_94 {offsets = [0, 64], sizes = [512, 2], strides = [1, 1]} : vector<512x128xf32> to vector<512x2xf32>
    %concatenate3A_97 = tpu.concatenate %get3A_1, %slice3A_96 in 1 : vector<512x2xf32>, vector<512x2xf32> -> vector<512x4xf32>
    %get3A_98 = arith.constant 0 : index
    %get3A_99 = arith.constant 0 : index
    %get3A_100 = vector.load %arg3[%get3A_98, %get3A_99] : memref<4x64xf32, #tpu.memory_space<vmem>>, vector<4x64xf32>
    %dot_general3A_101 = arith.constant dense<0.000000e+00> : vector<512x64xf32>
    %dot_general3A_102 = tpu.matmul %concatenate3A_97, %get3A_100, %dot_general3A_101 {dimension_numbers = #tpu.dot_dimension_numbers<[1], [0], [0], [1], [0, 0, 1, 1], [], []>, transpose_lhs_hint = false} : vector<512x4xf32>, vector<4x64xf32>, vector<512x64xf32> -> vector<512x64xf32>
    %get3A_103 = arith.constant 0 : index
    %get3A_104 = arith.constant 0 : index
    %get3A_105 = vector.load %arg4[%get3A_103, %get3A_104] : memref<1x64xf32, #tpu.memory_space<vmem>>, vector<1x64xf32>
    %add3A_106 = vector.broadcast %get3A_105 : vector<1x64xf32> to vector<512x64xf32>
    %add3A_107 = arith.addf %dot_general3A_102, %add3A_106 : vector<512x64xf32>
    %integer_pow3A_108 = arith.mulf %add3A_107, %add3A_107 : vector<512x64xf32>
    %integer_pow3A_109 = arith.mulf %add3A_107, %integer_pow3A_108 : vector<512x64xf32>
    %mul3A_110 = arith.constant 4.471500e-02 : f32
    %mul3A_111 = vector.broadcast %mul3A_110 : f32 to vector<512x64xf32>
    %mul3A_112 = arith.mulf %mul3A_111, %integer_pow3A_109 : vector<512x64xf32>
    %add3A_113 = arith.addf %add3A_107, %mul3A_112 : vector<512x64xf32>
    %mul3A_114 = arith.constant 0.797884583 : f32
    %mul3A_115 = vector.broadcast %mul3A_114 : f32 to vector<512x64xf32>
    %mul3A_116 = arith.mulf %mul3A_115, %add3A_113 : vector<512x64xf32>
    %tanh3A_117 = math.tanh %mul3A_116 : vector<512x64xf32>
    %add3A_118 = arith.constant 1.000000e+00 : f32
    %add3A_119 = vector.broadcast %add3A_118 : f32 to vector<512x64xf32>
    %add3A_120 = arith.addf %add3A_119, %tanh3A_117 : vector<512x64xf32>
    %mul3A_121 = arith.constant 5.000000e-01 : f32
    %mul3A_122 = vector.broadcast %mul3A_121 : f32 to vector<512x64xf32>
    %mul3A_123 = arith.mulf %mul3A_122, %add3A_120 : vector<512x64xf32>
    %mul3A_124 = arith.mulf %add3A_107, %mul3A_123 : vector<512x64xf32>
    %get3A_125 = arith.constant 0 : index
    %get3A_126 = arith.constant 0 : index
    %get3A_127 = vector.load %arg5[%get3A_125, %get3A_126] : memref<64x64xf32, #tpu.memory_space<vmem>>, vector<64x64xf32>
    %dot_general3A_128 = arith.constant dense<0.000000e+00> : vector<512x64xf32>
    %dot_general3A_129 = tpu.matmul %mul3A_124, %get3A_127, %dot_general3A_128 {dimension_numbers = #tpu.dot_dimension_numbers<[1], [0], [0], [1], [0, 0, 1, 1], [], []>, transpose_lhs_hint = false} : vector<512x64xf32>, vector<64x64xf32>, vector<512x64xf32> -> vector<512x64xf32>
    %get3A_130 = arith.constant 0 : index
    %get3A_131 = arith.constant 0 : index
    %get3A_132 = vector.load %arg6[%get3A_130, %get3A_131] : memref<1x64xf32, #tpu.memory_space<vmem>>, vector<1x64xf32>
    %add3A_133 = vector.broadcast %get3A_132 : vector<1x64xf32> to vector<512x64xf32>
    %add3A_134 = arith.addf %dot_general3A_129, %add3A_133 : vector<512x64xf32>
    %mul3A_135 = arith.mulf %add3A_134, %slice3A_95 : vector<512x64xf32>
    %add3A_136 = arith.addf %add3A_89, %mul3A_135 : vector<512x64xf32>
    %get3A_137 = arith.constant 3 : index
    %get3A_138 = arith.constant 0 : index
    %get3A_139 = arith.constant 0 : index
    %get3A_140 = vector.load %arg1[%get3A_137, %get3A_138, %get3A_139] : memref<10x512x128xf32, #tpu.memory_space<vmem>>, vector<1x512x128xf32>
    %get3A_141 = vector.shape_cast %get3A_140 : vector<1x512x128xf32> to vector<512x128xf32>
    %slice3A_142 = vector.extract_strided_slice %get3A_141 {offsets = [0, 0], sizes = [512, 64], strides = [1, 1]} : vector<512x128xf32> to vector<512x64xf32>
    %slice3A_143 = vector.extract_strided_slice %get3A_141 {offsets = [0, 64], sizes = [512, 2], strides = [1, 1]} : vector<512x128xf32> to vector<512x2xf32>
    %concatenate3A_144 = tpu.concatenate %get3A_1, %slice3A_143 in 1 : vector<512x2xf32>, vector<512x2xf32> -> vector<512x4xf32>
    %get3A_145 = arith.constant 0 : index
    %get3A_146 = arith.constant 0 : index
    %get3A_147 = vector.load %arg3[%get3A_145, %get3A_146] : memref<4x64xf32, #tpu.memory_space<vmem>>, vector<4x64xf32>
    %dot_general3A_148 = arith.constant dense<0.000000e+00> : vector<512x64xf32>
    %dot_general3A_149 = tpu.matmul %concatenate3A_144, %get3A_147, %dot_general3A_148 {dimension_numbers = #tpu.dot_dimension_numbers<[1], [0], [0], [1], [0, 0, 1, 1], [], []>, transpose_lhs_hint = false} : vector<512x4xf32>, vector<4x64xf32>, vector<512x64xf32> -> vector<512x64xf32>
    %get3A_150 = arith.constant 0 : index
    %get3A_151 = arith.constant 0 : index
    %get3A_152 = vector.load %arg4[%get3A_150, %get3A_151] : memref<1x64xf32, #tpu.memory_space<vmem>>, vector<1x64xf32>
    %add3A_153 = vector.broadcast %get3A_152 : vector<1x64xf32> to vector<512x64xf32>
    %add3A_154 = arith.addf %dot_general3A_149, %add3A_153 : vector<512x64xf32>
    %integer_pow3A_155 = arith.mulf %add3A_154, %add3A_154 : vector<512x64xf32>
    %integer_pow3A_156 = arith.mulf %add3A_154, %integer_pow3A_155 : vector<512x64xf32>
    %mul3A_157 = arith.constant 4.471500e-02 : f32
    %mul3A_158 = vector.broadcast %mul3A_157 : f32 to vector<512x64xf32>
    %mul3A_159 = arith.mulf %mul3A_158, %integer_pow3A_156 : vector<512x64xf32>
    %add3A_160 = arith.addf %add3A_154, %mul3A_159 : vector<512x64xf32>
    %mul3A_161 = arith.constant 0.797884583 : f32
    %mul3A_162 = vector.broadcast %mul3A_161 : f32 to vector<512x64xf32>
    %mul3A_163 = arith.mulf %mul3A_162, %add3A_160 : vector<512x64xf32>
    %tanh3A_164 = math.tanh %mul3A_163 : vector<512x64xf32>
    %add3A_165 = arith.constant 1.000000e+00 : f32
    %add3A_166 = vector.broadcast %add3A_165 : f32 to vector<512x64xf32>
    %add3A_167 = arith.addf %add3A_166, %tanh3A_164 : vector<512x64xf32>
    %mul3A_168 = arith.constant 5.000000e-01 : f32
    %mul3A_169 = vector.broadcast %mul3A_168 : f32 to vector<512x64xf32>
    %mul3A_170 = arith.mulf %mul3A_169, %add3A_167 : vector<512x64xf32>
    %mul3A_171 = arith.mulf %add3A_154, %mul3A_170 : vector<512x64xf32>
    %get3A_172 = arith.constant 0 : index
    %get3A_173 = arith.constant 0 : index
    %get3A_174 = vector.load %arg5[%get3A_172, %get3A_173] : memref<64x64xf32, #tpu.memory_space<vmem>>, vector<64x64xf32>
    %dot_general3A_175 = arith.constant dense<0.000000e+00> : vector<512x64xf32>
    %dot_general3A_176 = tpu.matmul %mul3A_171, %get3A_174, %dot_general3A_175 {dimension_numbers = #tpu.dot_dimension_numbers<[1], [0], [0], [1], [0, 0, 1, 1], [], []>, transpose_lhs_hint = false} : vector<512x64xf32>, vector<64x64xf32>, vector<512x64xf32> -> vector<512x64xf32>
    %get3A_177 = arith.constant 0 : index
    %get3A_178 = arith.constant 0 : index
    %get3A_179 = vector.load %arg6[%get3A_177, %get3A_178] : memref<1x64xf32, #tpu.memory_space<vmem>>, vector<1x64xf32>
    %add3A_180 = vector.broadcast %get3A_179 : vector<1x64xf32> to vector<512x64xf32>
    %add3A_181 = arith.addf %dot_general3A_176, %add3A_180 : vector<512x64xf32>
    %mul3A_182 = arith.mulf %add3A_181, %slice3A_142 : vector<512x64xf32>
    %add3A_183 = arith.addf %add3A_136, %mul3A_182 : vector<512x64xf32>
    %get3A_184 = arith.constant 4 : index
    %get3A_185 = arith.constant 0 : index
    %get3A_186 = arith.constant 0 : index
    %get3A_187 = vector.load %arg1[%get3A_184, %get3A_185, %get3A_186] : memref<10x512x128xf32, #tpu.memory_space<vmem>>, vector<1x512x128xf32>
    %get3A_188 = vector.shape_cast %get3A_187 : vector<1x512x128xf32> to vector<512x128xf32>
    %slice3A_189 = vector.extract_strided_slice %get3A_188 {offsets = [0, 0], sizes = [512, 64], strides = [1, 1]} : vector<512x128xf32> to vector<512x64xf32>
    %slice3A_190 = vector.extract_strided_slice %get3A_188 {offsets = [0, 64], sizes = [512, 2], strides = [1, 1]} : vector<512x128xf32> to vector<512x2xf32>
    %concatenate3A_191 = tpu.concatenate %get3A_1, %slice3A_190 in 1 : vector<512x2xf32>, vector<512x2xf32> -> vector<512x4xf32>
    %get3A_192 = arith.constant 0 : index
    %get3A_193 = arith.constant 0 : index
    %get3A_194 = vector.load %arg3[%get3A_192, %get3A_193] : memref<4x64xf32, #tpu.memory_space<vmem>>, vector<4x64xf32>
    %dot_general3A_195 = arith.constant dense<0.000000e+00> : vector<512x64xf32>
    %dot_general3A_196 = tpu.matmul %concatenate3A_191, %get3A_194, %dot_general3A_195 {dimension_numbers = #tpu.dot_dimension_numbers<[1], [0], [0], [1], [0, 0, 1, 1], [], []>, transpose_lhs_hint = false} : vector<512x4xf32>, vector<4x64xf32>, vector<512x64xf32> -> vector<512x64xf32>
    %get3A_197 = arith.constant 0 : index
    %get3A_198 = arith.constant 0 : index
    %get3A_199 = vector.load %arg4[%get3A_197, %get3A_198] : memref<1x64xf32, #tpu.memory_space<vmem>>, vector<1x64xf32>
    %add3A_200 = vector.broadcast %get3A_199 : vector<1x64xf32> to vector<512x64xf32>
    %add3A_201 = arith.addf %dot_general3A_196, %add3A_200 : vector<512x64xf32>
    %integer_pow3A_202 = arith.mulf %add3A_201, %add3A_201 : vector<512x64xf32>
    %integer_pow3A_203 = arith.mulf %add3A_201, %integer_pow3A_202 : vector<512x64xf32>
    %mul3A_204 = arith.constant 4.471500e-02 : f32
    %mul3A_205 = vector.broadcast %mul3A_204 : f32 to vector<512x64xf32>
    %mul3A_206 = arith.mulf %mul3A_205, %integer_pow3A_203 : vector<512x64xf32>
    %add3A_207 = arith.addf %add3A_201, %mul3A_206 : vector<512x64xf32>
    %mul3A_208 = arith.constant 0.797884583 : f32
    %mul3A_209 = vector.broadcast %mul3A_208 : f32 to vector<512x64xf32>
    %mul3A_210 = arith.mulf %mul3A_209, %add3A_207 : vector<512x64xf32>
    %tanh3A_211 = math.tanh %mul3A_210 : vector<512x64xf32>
    %add3A_212 = arith.constant 1.000000e+00 : f32
    %add3A_213 = vector.broadcast %add3A_212 : f32 to vector<512x64xf32>
    %add3A_214 = arith.addf %add3A_213, %tanh3A_211 : vector<512x64xf32>
    %mul3A_215 = arith.constant 5.000000e-01 : f32
    %mul3A_216 = vector.broadcast %mul3A_215 : f32 to vector<512x64xf32>
    %mul3A_217 = arith.mulf %mul3A_216, %add3A_214 : vector<512x64xf32>
    %mul3A_218 = arith.mulf %add3A_201, %mul3A_217 : vector<512x64xf32>
    %get3A_219 = arith.constant 0 : index
    %get3A_220 = arith.constant 0 : index
    %get3A_221 = vector.load %arg5[%get3A_219, %get3A_220] : memref<64x64xf32, #tpu.memory_space<vmem>>, vector<64x64xf32>
    %dot_general3A_222 = arith.constant dense<0.000000e+00> : vector<512x64xf32>
    %dot_general3A_223 = tpu.matmul %mul3A_218, %get3A_221, %dot_general3A_222 {dimension_numbers = #tpu.dot_dimension_numbers<[1], [0], [0], [1], [0, 0, 1, 1], [], []>, transpose_lhs_hint = false} : vector<512x64xf32>, vector<64x64xf32>, vector<512x64xf32> -> vector<512x64xf32>
    %get3A_224 = arith.constant 0 : index
    %get3A_225 = arith.constant 0 : index
    %get3A_226 = vector.load %arg6[%get3A_224, %get3A_225] : memref<1x64xf32, #tpu.memory_space<vmem>>, vector<1x64xf32>
    %add3A_227 = vector.broadcast %get3A_226 : vector<1x64xf32> to vector<512x64xf32>
    %add3A_228 = arith.addf %dot_general3A_223, %add3A_227 : vector<512x64xf32>
    %mul3A_229 = arith.mulf %add3A_228, %slice3A_189 : vector<512x64xf32>
    %add3A_230 = arith.addf %add3A_183, %mul3A_229 : vector<512x64xf32>
    %get3A_231 = arith.constant 5 : index
    %get3A_232 = arith.constant 0 : index
    %get3A_233 = arith.constant 0 : index
    %get3A_234 = vector.load %arg1[%get3A_231, %get3A_232, %get3A_233] : memref<10x512x128xf32, #tpu.memory_space<vmem>>, vector<1x512x128xf32>
    %get3A_235 = vector.shape_cast %get3A_234 : vector<1x512x128xf32> to vector<512x128xf32>
    %slice3A_236 = vector.extract_strided_slice %get3A_235 {offsets = [0, 0], sizes = [512, 64], strides = [1, 1]} : vector<512x128xf32> to vector<512x64xf32>
    %slice3A_237 = vector.extract_strided_slice %get3A_235 {offsets = [0, 64], sizes = [512, 2], strides = [1, 1]} : vector<512x128xf32> to vector<512x2xf32>
    %concatenate3A_238 = tpu.concatenate %get3A_1, %slice3A_237 in 1 : vector<512x2xf32>, vector<512x2xf32> -> vector<512x4xf32>
    %get3A_239 = arith.constant 0 : index
    %get3A_240 = arith.constant 0 : index
    %get3A_241 = vector.load %arg3[%get3A_239, %get3A_240] : memref<4x64xf32, #tpu.memory_space<vmem>>, vector<4x64xf32>
    %dot_general3A_242 = arith.constant dense<0.000000e+00> : vector<512x64xf32>
    %dot_general3A_243 = tpu.matmul %concatenate3A_238, %get3A_241, %dot_general3A_242 {dimension_numbers = #tpu.dot_dimension_numbers<[1], [0], [0], [1], [0, 0, 1, 1], [], []>, transpose_lhs_hint = false} : vector<512x4xf32>, vector<4x64xf32>, vector<512x64xf32> -> vector<512x64xf32>
    %get3A_244 = arith.constant 0 : index
    %get3A_245 = arith.constant 0 : index
    %get3A_246 = vector.load %arg4[%get3A_244, %get3A_245] : memref<1x64xf32, #tpu.memory_space<vmem>>, vector<1x64xf32>
    %add3A_247 = vector.broadcast %get3A_246 : vector<1x64xf32> to vector<512x64xf32>
    %add3A_248 = arith.addf %dot_general3A_243, %add3A_247 : vector<512x64xf32>
    %integer_pow3A_249 = arith.mulf %add3A_248, %add3A_248 : vector<512x64xf32>
    %integer_pow3A_250 = arith.mulf %add3A_248, %integer_pow3A_249 : vector<512x64xf32>
    %mul3A_251 = arith.constant 4.471500e-02 : f32
    %mul3A_252 = vector.broadcast %mul3A_251 : f32 to vector<512x64xf32>
    %mul3A_253 = arith.mulf %mul3A_252, %integer_pow3A_250 : vector<512x64xf32>
    %add3A_254 = arith.addf %add3A_248, %mul3A_253 : vector<512x64xf32>
    %mul3A_255 = arith.constant 0.797884583 : f32
    %mul3A_256 = vector.broadcast %mul3A_255 : f32 to vector<512x64xf32>
    %mul3A_257 = arith.mulf %mul3A_256, %add3A_254 : vector<512x64xf32>
    %tanh3A_258 = math.tanh %mul3A_257 : vector<512x64xf32>
    %add3A_259 = arith.constant 1.000000e+00 : f32
    %add3A_260 = vector.broadcast %add3A_259 : f32 to vector<512x64xf32>
    %add3A_261 = arith.addf %add3A_260, %tanh3A_258 : vector<512x64xf32>
    %mul3A_262 = arith.constant 5.000000e-01 : f32
    %mul3A_263 = vector.broadcast %mul3A_262 : f32 to vector<512x64xf32>
    %mul3A_264 = arith.mulf %mul3A_263, %add3A_261 : vector<512x64xf32>
    %mul3A_265 = arith.mulf %add3A_248, %mul3A_264 : vector<512x64xf32>
    %get3A_266 = arith.constant 0 : index
    %get3A_267 = arith.constant 0 : index
    %get3A_268 = vector.load %arg5[%get3A_266, %get3A_267] : memref<64x64xf32, #tpu.memory_space<vmem>>, vector<64x64xf32>
    %dot_general3A_269 = arith.constant dense<0.000000e+00> : vector<512x64xf32>
    %dot_general3A_270 = tpu.matmul %mul3A_265, %get3A_268, %dot_general3A_269 {dimension_numbers = #tpu.dot_dimension_numbers<[1], [0], [0], [1], [0, 0, 1, 1], [], []>, transpose_lhs_hint = false} : vector<512x64xf32>, vector<64x64xf32>, vector<512x64xf32> -> vector<512x64xf32>
    %get3A_271 = arith.constant 0 : index
    %get3A_272 = arith.constant 0 : index
    %get3A_273 = vector.load %arg6[%get3A_271, %get3A_272] : memref<1x64xf32, #tpu.memory_space<vmem>>, vector<1x64xf32>
    %add3A_274 = vector.broadcast %get3A_273 : vector<1x64xf32> to vector<512x64xf32>
    %add3A_275 = arith.addf %dot_general3A_270, %add3A_274 : vector<512x64xf32>
    %mul3A_276 = arith.mulf %add3A_275, %slice3A_236 : vector<512x64xf32>
    %add3A_277 = arith.addf %add3A_230, %mul3A_276 : vector<512x64xf32>
    %get3A_278 = arith.constant 6 : index
    %get3A_279 = arith.constant 0 : index
    %get3A_280 = arith.constant 0 : index
    %get3A_281 = vector.load %arg1[%get3A_278, %get3A_279, %get3A_280] : memref<10x512x128xf32, #tpu.memory_space<vmem>>, vector<1x512x128xf32>
    %get3A_282 = vector.shape_cast %get3A_281 : vector<1x512x128xf32> to vector<512x128xf32>
    %slice3A_283 = vector.extract_strided_slice %get3A_282 {offsets = [0, 0], sizes = [512, 64], strides = [1, 1]} : vector<512x128xf32> to vector<512x64xf32>
    %slice3A_284 = vector.extract_strided_slice %get3A_282 {offsets = [0, 64], sizes = [512, 2], strides = [1, 1]} : vector<512x128xf32> to vector<512x2xf32>
    %concatenate3A_285 = tpu.concatenate %get3A_1, %slice3A_284 in 1 : vector<512x2xf32>, vector<512x2xf32> -> vector<512x4xf32>
    %get3A_286 = arith.constant 0 : index
    %get3A_287 = arith.constant 0 : index
    %get3A_288 = vector.load %arg3[%get3A_286, %get3A_287] : memref<4x64xf32, #tpu.memory_space<vmem>>, vector<4x64xf32>
    %dot_general3A_289 = arith.constant dense<0.000000e+00> : vector<512x64xf32>
    %dot_general3A_290 = tpu.matmul %concatenate3A_285, %get3A_288, %dot_general3A_289 {dimension_numbers = #tpu.dot_dimension_numbers<[1], [0], [0], [1], [0, 0, 1, 1], [], []>, transpose_lhs_hint = false} : vector<512x4xf32>, vector<4x64xf32>, vector<512x64xf32> -> vector<512x64xf32>
    %get3A_291 = arith.constant 0 : index
    %get3A_292 = arith.constant 0 : index
    %get3A_293 = vector.load %arg4[%get3A_291, %get3A_292] : memref<1x64xf32, #tpu.memory_space<vmem>>, vector<1x64xf32>
    %add3A_294 = vector.broadcast %get3A_293 : vector<1x64xf32> to vector<512x64xf32>
    %add3A_295 = arith.addf %dot_general3A_290, %add3A_294 : vector<512x64xf32>
    %integer_pow3A_296 = arith.mulf %add3A_295, %add3A_295 : vector<512x64xf32>
    %integer_pow3A_297 = arith.mulf %add3A_295, %integer_pow3A_296 : vector<512x64xf32>
    %mul3A_298 = arith.constant 4.471500e-02 : f32
    %mul3A_299 = vector.broadcast %mul3A_298 : f32 to vector<512x64xf32>
    %mul3A_300 = arith.mulf %mul3A_299, %integer_pow3A_297 : vector<512x64xf32>
    %add3A_301 = arith.addf %add3A_295, %mul3A_300 : vector<512x64xf32>
    %mul3A_302 = arith.constant 0.797884583 : f32
    %mul3A_303 = vector.broadcast %mul3A_302 : f32 to vector<512x64xf32>
    %mul3A_304 = arith.mulf %mul3A_303, %add3A_301 : vector<512x64xf32>
    %tanh3A_305 = math.tanh %mul3A_304 : vector<512x64xf32>
    %add3A_306 = arith.constant 1.000000e+00 : f32
    %add3A_307 = vector.broadcast %add3A_306 : f32 to vector<512x64xf32>
    %add3A_308 = arith.addf %add3A_307, %tanh3A_305 : vector<512x64xf32>
    %mul3A_309 = arith.constant 5.000000e-01 : f32
    %mul3A_310 = vector.broadcast %mul3A_309 : f32 to vector<512x64xf32>
    %mul3A_311 = arith.mulf %mul3A_310, %add3A_308 : vector<512x64xf32>
    %mul3A_312 = arith.mulf %add3A_295, %mul3A_311 : vector<512x64xf32>
    %get3A_313 = arith.constant 0 : index
    %get3A_314 = arith.constant 0 : index
    %get3A_315 = vector.load %arg5[%get3A_313, %get3A_314] : memref<64x64xf32, #tpu.memory_space<vmem>>, vector<64x64xf32>
    %dot_general3A_316 = arith.constant dense<0.000000e+00> : vector<512x64xf32>
    %dot_general3A_317 = tpu.matmul %mul3A_312, %get3A_315, %dot_general3A_316 {dimension_numbers = #tpu.dot_dimension_numbers<[1], [0], [0], [1], [0, 0, 1, 1], [], []>, transpose_lhs_hint = false} : vector<512x64xf32>, vector<64x64xf32>, vector<512x64xf32> -> vector<512x64xf32>
    %get3A_318 = arith.constant 0 : index
    %get3A_319 = arith.constant 0 : index
    %get3A_320 = vector.load %arg6[%get3A_318, %get3A_319] : memref<1x64xf32, #tpu.memory_space<vmem>>, vector<1x64xf32>
    %add3A_321 = vector.broadcast %get3A_320 : vector<1x64xf32> to vector<512x64xf32>
    %add3A_322 = arith.addf %dot_general3A_317, %add3A_321 : vector<512x64xf32>
    %mul3A_323 = arith.mulf %add3A_322, %slice3A_283 : vector<512x64xf32>
    %add3A_324 = arith.addf %add3A_277, %mul3A_323 : vector<512x64xf32>
    %get3A_325 = arith.constant 7 : index
    %get3A_326 = arith.constant 0 : index
    %get3A_327 = arith.constant 0 : index
    %get3A_328 = vector.load %arg1[%get3A_325, %get3A_326, %get3A_327] : memref<10x512x128xf32, #tpu.memory_space<vmem>>, vector<1x512x128xf32>
    %get3A_329 = vector.shape_cast %get3A_328 : vector<1x512x128xf32> to vector<512x128xf32>
    %slice3A_330 = vector.extract_strided_slice %get3A_329 {offsets = [0, 0], sizes = [512, 64], strides = [1, 1]} : vector<512x128xf32> to vector<512x64xf32>
    %slice3A_331 = vector.extract_strided_slice %get3A_329 {offsets = [0, 64], sizes = [512, 2], strides = [1, 1]} : vector<512x128xf32> to vector<512x2xf32>
    %concatenate3A_332 = tpu.concatenate %get3A_1, %slice3A_331 in 1 : vector<512x2xf32>, vector<512x2xf32> -> vector<512x4xf32>
    %get3A_333 = arith.constant 0 : index
    %get3A_334 = arith.constant 0 : index
    %get3A_335 = vector.load %arg3[%get3A_333, %get3A_334] : memref<4x64xf32, #tpu.memory_space<vmem>>, vector<4x64xf32>
    %dot_general3A_336 = arith.constant dense<0.000000e+00> : vector<512x64xf32>
    %dot_general3A_337 = tpu.matmul %concatenate3A_332, %get3A_335, %dot_general3A_336 {dimension_numbers = #tpu.dot_dimension_numbers<[1], [0], [0], [1], [0, 0, 1, 1], [], []>, transpose_lhs_hint = false} : vector<512x4xf32>, vector<4x64xf32>, vector<512x64xf32> -> vector<512x64xf32>
    %get3A_338 = arith.constant 0 : index
    %get3A_339 = arith.constant 0 : index
    %get3A_340 = vector.load %arg4[%get3A_338, %get3A_339] : memref<1x64xf32, #tpu.memory_space<vmem>>, vector<1x64xf32>
    %add3A_341 = vector.broadcast %get3A_340 : vector<1x64xf32> to vector<512x64xf32>
    %add3A_342 = arith.addf %dot_general3A_337, %add3A_341 : vector<512x64xf32>
    %integer_pow3A_343 = arith.mulf %add3A_342, %add3A_342 : vector<512x64xf32>
    %integer_pow3A_344 = arith.mulf %add3A_342, %integer_pow3A_343 : vector<512x64xf32>
    %mul3A_345 = arith.constant 4.471500e-02 : f32
    %mul3A_346 = vector.broadcast %mul3A_345 : f32 to vector<512x64xf32>
    %mul3A_347 = arith.mulf %mul3A_346, %integer_pow3A_344 : vector<512x64xf32>
    %add3A_348 = arith.addf %add3A_342, %mul3A_347 : vector<512x64xf32>
    %mul3A_349 = arith.constant 0.797884583 : f32
    %mul3A_350 = vector.broadcast %mul3A_349 : f32 to vector<512x64xf32>
    %mul3A_351 = arith.mulf %mul3A_350, %add3A_348 : vector<512x64xf32>
    %tanh3A_352 = math.tanh %mul3A_351 : vector<512x64xf32>
    %add3A_353 = arith.constant 1.000000e+00 : f32
    %add3A_354 = vector.broadcast %add3A_353 : f32 to vector<512x64xf32>
    %add3A_355 = arith.addf %add3A_354, %tanh3A_352 : vector<512x64xf32>
    %mul3A_356 = arith.constant 5.000000e-01 : f32
    %mul3A_357 = vector.broadcast %mul3A_356 : f32 to vector<512x64xf32>
    %mul3A_358 = arith.mulf %mul3A_357, %add3A_355 : vector<512x64xf32>
    %mul3A_359 = arith.mulf %add3A_342, %mul3A_358 : vector<512x64xf32>
    %get3A_360 = arith.constant 0 : index
    %get3A_361 = arith.constant 0 : index
    %get3A_362 = vector.load %arg5[%get3A_360, %get3A_361] : memref<64x64xf32, #tpu.memory_space<vmem>>, vector<64x64xf32>
    %dot_general3A_363 = arith.constant dense<0.000000e+00> : vector<512x64xf32>
    %dot_general3A_364 = tpu.matmul %mul3A_359, %get3A_362, %dot_general3A_363 {dimension_numbers = #tpu.dot_dimension_numbers<[1], [0], [0], [1], [0, 0, 1, 1], [], []>, transpose_lhs_hint = false} : vector<512x64xf32>, vector<64x64xf32>, vector<512x64xf32> -> vector<512x64xf32>
    %get3A_365 = arith.constant 0 : index
    %get3A_366 = arith.constant 0 : index
    %get3A_367 = vector.load %arg6[%get3A_365, %get3A_366] : memref<1x64xf32, #tpu.memory_space<vmem>>, vector<1x64xf32>
    %add3A_368 = vector.broadcast %get3A_367 : vector<1x64xf32> to vector<512x64xf32>
    %add3A_369 = arith.addf %dot_general3A_364, %add3A_368 : vector<512x64xf32>
    %mul3A_370 = arith.mulf %add3A_369, %slice3A_330 : vector<512x64xf32>
    %add3A_371 = arith.addf %add3A_324, %mul3A_370 : vector<512x64xf32>
    %get3A_372 = arith.constant 8 : index
    %get3A_373 = arith.constant 0 : index
    %get3A_374 = arith.constant 0 : index
    %get3A_375 = vector.load %arg1[%get3A_372, %get3A_373, %get3A_374] : memref<10x512x128xf32, #tpu.memory_space<vmem>>, vector<1x512x128xf32>
    %get3A_376 = vector.shape_cast %get3A_375 : vector<1x512x128xf32> to vector<512x128xf32>
    %slice3A_377 = vector.extract_strided_slice %get3A_376 {offsets = [0, 0], sizes = [512, 64], strides = [1, 1]} : vector<512x128xf32> to vector<512x64xf32>
    %slice3A_378 = vector.extract_strided_slice %get3A_376 {offsets = [0, 64], sizes = [512, 2], strides = [1, 1]} : vector<512x128xf32> to vector<512x2xf32>
    %concatenate3A_379 = tpu.concatenate %get3A_1, %slice3A_378 in 1 : vector<512x2xf32>, vector<512x2xf32> -> vector<512x4xf32>
    %get3A_380 = arith.constant 0 : index
    %get3A_381 = arith.constant 0 : index
    %get3A_382 = vector.load %arg3[%get3A_380, %get3A_381] : memref<4x64xf32, #tpu.memory_space<vmem>>, vector<4x64xf32>
    %dot_general3A_383 = arith.constant dense<0.000000e+00> : vector<512x64xf32>
    %dot_general3A_384 = tpu.matmul %concatenate3A_379, %get3A_382, %dot_general3A_383 {dimension_numbers = #tpu.dot_dimension_numbers<[1], [0], [0], [1], [0, 0, 1, 1], [], []>, transpose_lhs_hint = false} : vector<512x4xf32>, vector<4x64xf32>, vector<512x64xf32> -> vector<512x64xf32>
    %get3A_385 = arith.constant 0 : index
    %get3A_386 = arith.constant 0 : index
    %get3A_387 = vector.load %arg4[%get3A_385, %get3A_386] : memref<1x64xf32, #tpu.memory_space<vmem>>, vector<1x64xf32>
    %add3A_388 = vector.broadcast %get3A_387 : vector<1x64xf32> to vector<512x64xf32>
    %add3A_389 = arith.addf %dot_general3A_384, %add3A_388 : vector<512x64xf32>
    %integer_pow3A_390 = arith.mulf %add3A_389, %add3A_389 : vector<512x64xf32>
    %integer_pow3A_391 = arith.mulf %add3A_389, %integer_pow3A_390 : vector<512x64xf32>
    %mul3A_392 = arith.constant 4.471500e-02 : f32
    %mul3A_393 = vector.broadcast %mul3A_392 : f32 to vector<512x64xf32>
    %mul3A_394 = arith.mulf %mul3A_393, %integer_pow3A_391 : vector<512x64xf32>
    %add3A_395 = arith.addf %add3A_389, %mul3A_394 : vector<512x64xf32>
    %mul3A_396 = arith.constant 0.797884583 : f32
    %mul3A_397 = vector.broadcast %mul3A_396 : f32 to vector<512x64xf32>
    %mul3A_398 = arith.mulf %mul3A_397, %add3A_395 : vector<512x64xf32>
    %tanh3A_399 = math.tanh %mul3A_398 : vector<512x64xf32>
    %add3A_400 = arith.constant 1.000000e+00 : f32
    %add3A_401 = vector.broadcast %add3A_400 : f32 to vector<512x64xf32>
    %add3A_402 = arith.addf %add3A_401, %tanh3A_399 : vector<512x64xf32>
    %mul3A_403 = arith.constant 5.000000e-01 : f32
    %mul3A_404 = vector.broadcast %mul3A_403 : f32 to vector<512x64xf32>
    %mul3A_405 = arith.mulf %mul3A_404, %add3A_402 : vector<512x64xf32>
    %mul3A_406 = arith.mulf %add3A_389, %mul3A_405 : vector<512x64xf32>
    %get3A_407 = arith.constant 0 : index
    %get3A_408 = arith.constant 0 : index
    %get3A_409 = vector.load %arg5[%get3A_407, %get3A_408] : memref<64x64xf32, #tpu.memory_space<vmem>>, vector<64x64xf32>
    %dot_general3A_410 = arith.constant dense<0.000000e+00> : vector<512x64xf32>
    %dot_general3A_411 = tpu.matmul %mul3A_406, %get3A_409, %dot_general3A_410 {dimension_numbers = #tpu.dot_dimension_numbers<[1], [0], [0], [1], [0, 0, 1, 1], [], []>, transpose_lhs_hint = false} : vector<512x64xf32>, vector<64x64xf32>, vector<512x64xf32> -> vector<512x64xf32>
    %get3A_412 = arith.constant 0 : index
    %get3A_413 = arith.constant 0 : index
    %get3A_414 = vector.load %arg6[%get3A_412, %get3A_413] : memref<1x64xf32, #tpu.memory_space<vmem>>, vector<1x64xf32>
    %add3A_415 = vector.broadcast %get3A_414 : vector<1x64xf32> to vector<512x64xf32>
    %add3A_416 = arith.addf %dot_general3A_411, %add3A_415 : vector<512x64xf32>
    %mul3A_417 = arith.mulf %add3A_416, %slice3A_377 : vector<512x64xf32>
    %add3A_418 = arith.addf %add3A_371, %mul3A_417 : vector<512x64xf32>
    %get3A_419 = arith.constant 9 : index
    %get3A_420 = arith.constant 0 : index
    %get3A_421 = arith.constant 0 : index
    %get3A_422 = vector.load %arg1[%get3A_419, %get3A_420, %get3A_421] : memref<10x512x128xf32, #tpu.memory_space<vmem>>, vector<1x512x128xf32>
    %get3A_423 = vector.shape_cast %get3A_422 : vector<1x512x128xf32> to vector<512x128xf32>
    %slice3A_424 = vector.extract_strided_slice %get3A_423 {offsets = [0, 0], sizes = [512, 64], strides = [1, 1]} : vector<512x128xf32> to vector<512x64xf32>
    %slice3A_425 = vector.extract_strided_slice %get3A_423 {offsets = [0, 64], sizes = [512, 2], strides = [1, 1]} : vector<512x128xf32> to vector<512x2xf32>
    %concatenate3A_426 = tpu.concatenate %get3A_1, %slice3A_425 in 1 : vector<512x2xf32>, vector<512x2xf32> -> vector<512x4xf32>
    %get3A_427 = arith.constant 0 : index
    %get3A_428 = arith.constant 0 : index
    %get3A_429 = vector.load %arg3[%get3A_427, %get3A_428] : memref<4x64xf32, #tpu.memory_space<vmem>>, vector<4x64xf32>
    %dot_general3A_430 = arith.constant dense<0.000000e+00> : vector<512x64xf32>
    %dot_general3A_431 = tpu.matmul %concatenate3A_426, %get3A_429, %dot_general3A_430 {dimension_numbers = #tpu.dot_dimension_numbers<[1], [0], [0], [1], [0, 0, 1, 1], [], []>, transpose_lhs_hint = false} : vector<512x4xf32>, vector<4x64xf32>, vector<512x64xf32> -> vector<512x64xf32>
    %get3A_432 = arith.constant 0 : index
    %get3A_433 = arith.constant 0 : index
    %get3A_434 = vector.load %arg4[%get3A_432, %get3A_433] : memref<1x64xf32, #tpu.memory_space<vmem>>, vector<1x64xf32>
    %add3A_435 = vector.broadcast %get3A_434 : vector<1x64xf32> to vector<512x64xf32>
    %add3A_436 = arith.addf %dot_general3A_431, %add3A_435 : vector<512x64xf32>
    %integer_pow3A_437 = arith.mulf %add3A_436, %add3A_436 : vector<512x64xf32>
    %integer_pow3A_438 = arith.mulf %add3A_436, %integer_pow3A_437 : vector<512x64xf32>
    %mul3A_439 = arith.constant 4.471500e-02 : f32
    %mul3A_440 = vector.broadcast %mul3A_439 : f32 to vector<512x64xf32>
    %mul3A_441 = arith.mulf %mul3A_440, %integer_pow3A_438 : vector<512x64xf32>
    %add3A_442 = arith.addf %add3A_436, %mul3A_441 : vector<512x64xf32>
    %mul3A_443 = arith.constant 0.797884583 : f32
    %mul3A_444 = vector.broadcast %mul3A_443 : f32 to vector<512x64xf32>
    %mul3A_445 = arith.mulf %mul3A_444, %add3A_442 : vector<512x64xf32>
    %tanh3A_446 = math.tanh %mul3A_445 : vector<512x64xf32>
    %add3A_447 = arith.constant 1.000000e+00 : f32
    %add3A_448 = vector.broadcast %add3A_447 : f32 to vector<512x64xf32>
    %add3A_449 = arith.addf %add3A_448, %tanh3A_446 : vector<512x64xf32>
    %mul3A_450 = arith.constant 5.000000e-01 : f32
    %mul3A_451 = vector.broadcast %mul3A_450 : f32 to vector<512x64xf32>
    %mul3A_452 = arith.mulf %mul3A_451, %add3A_449 : vector<512x64xf32>
    %mul3A_453 = arith.mulf %add3A_436, %mul3A_452 : vector<512x64xf32>
    %get3A_454 = arith.constant 0 : index
    %get3A_455 = arith.constant 0 : index
    %get3A_456 = vector.load %arg5[%get3A_454, %get3A_455] : memref<64x64xf32, #tpu.memory_space<vmem>>, vector<64x64xf32>
    %dot_general3A_457 = arith.constant dense<0.000000e+00> : vector<512x64xf32>
    %dot_general3A_458 = tpu.matmul %mul3A_453, %get3A_456, %dot_general3A_457 {dimension_numbers = #tpu.dot_dimension_numbers<[1], [0], [0], [1], [0, 0, 1, 1], [], []>, transpose_lhs_hint = false} : vector<512x64xf32>, vector<64x64xf32>, vector<512x64xf32> -> vector<512x64xf32>
    %get3A_459 = arith.constant 0 : index
    %get3A_460 = arith.constant 0 : index
    %get3A_461 = vector.load %arg6[%get3A_459, %get3A_460] : memref<1x64xf32, #tpu.memory_space<vmem>>, vector<1x64xf32>
    %add3A_462 = vector.broadcast %get3A_461 : vector<1x64xf32> to vector<512x64xf32>
    %add3A_463 = arith.addf %dot_general3A_458, %add3A_462 : vector<512x64xf32>
    %mul3A_464 = arith.mulf %add3A_463, %slice3A_424 : vector<512x64xf32>
    %add3A_465 = arith.addf %add3A_418, %mul3A_464 : vector<512x64xf32>
    %div3A = arith.constant 1.000000e+01 : f32
    %div3A_466 = vector.broadcast %div3A : f32 to vector<512x64xf32>
    %div3A_467 = arith.divf %add3A_465, %div3A_466 : vector<512x64xf32>
    %get3A_468 = arith.constant 0 : index
    %get3A_469 = arith.constant 0 : index
    %get3A_470 = vector.load %arg7[%get3A_468, %get3A_469] : memref<64x64xf32, #tpu.memory_space<vmem>>, vector<64x64xf32>
    %dot_general3A_471 = arith.constant dense<0.000000e+00> : vector<512x64xf32>
    %dot_general3A_472 = tpu.matmul %div3A_467, %get3A_470, %dot_general3A_471 {dimension_numbers = #tpu.dot_dimension_numbers<[1], [0], [0], [1], [0, 0, 1, 1], [], []>, transpose_lhs_hint = false} : vector<512x64xf32>, vector<64x64xf32>, vector<512x64xf32> -> vector<512x64xf32>
    %get3A_473 = arith.constant 0 : index
    %get3A_474 = arith.constant 0 : index
    %get3A_475 = vector.load %arg8[%get3A_473, %get3A_474] : memref<1x64xf32, #tpu.memory_space<vmem>>, vector<1x64xf32>
    %add3A_476 = vector.broadcast %get3A_475 : vector<1x64xf32> to vector<512x64xf32>
    %add3A_477 = arith.addf %dot_general3A_472, %add3A_476 : vector<512x64xf32>
    %reduce_sum3A = arith.constant dense<0.000000e+00> : vector<512xf32>
    %reduce_sum3A_478 = vector.multi_reduction <add>, %add3A_477, %reduce_sum3A [1] : vector<512x64xf32> to vector<512xf32>
    %broadcast_in_dim3A_479 = vector.shape_cast %reduce_sum3A_478 : vector<512xf32> to vector<512x1xf32>
    %div3A_480 = arith.constant 6.400000e+01 : f32
    %div3A_481 = vector.broadcast %div3A_480 : f32 to vector<512x1xf32>
    %div3A_482 = arith.divf %broadcast_in_dim3A_479, %div3A_481 : vector<512x1xf32>
    %sub3A = vector.broadcast %div3A_482 : vector<512x1xf32> to vector<512x64xf32>
    %sub3A_483 = arith.subf %add3A_477, %sub3A : vector<512x64xf32>
    %mul3A_484 = arith.mulf %sub3A_483, %sub3A_483 : vector<512x64xf32>
    %reduce_sum3A_485 = arith.constant dense<0.000000e+00> : vector<512xf32>
    %reduce_sum3A_486 = vector.multi_reduction <add>, %mul3A_484, %reduce_sum3A_485 [1] : vector<512x64xf32> to vector<512xf32>
    %broadcast_in_dim3A_487 = vector.shape_cast %reduce_sum3A_486 : vector<512xf32> to vector<512x1xf32>
    %div3A_488 = arith.constant 6.400000e+01 : f32
    %div3A_489 = vector.broadcast %div3A_488 : f32 to vector<512x1xf32>
    %div3A_490 = arith.divf %broadcast_in_dim3A_487, %div3A_489 : vector<512x1xf32>
    %add3A_491 = arith.constant 9.99999974E-6 : f32
    %add3A_492 = vector.broadcast %add3A_491 : f32 to vector<512x1xf32>
    %add3A_493 = arith.addf %div3A_490, %add3A_492 : vector<512x1xf32>
    %sqrt3A = math.sqrt %add3A_493 : vector<512x1xf32>
    %div3A_494 = vector.broadcast %sqrt3A : vector<512x1xf32> to vector<512x64xf32>
    %div3A_495 = arith.divf %sub3A_483, %div3A_494 : vector<512x64xf32>
    %get3A_496 = arith.constant 0 : index
    %get3A_497 = arith.constant 0 : index
    %get3A_498 = vector.load %arg9[%get3A_496, %get3A_497] : memref<1x64xf32, #tpu.memory_space<vmem>>, vector<1x64xf32>
    %mul3A_499 = vector.broadcast %get3A_498 : vector<1x64xf32> to vector<512x64xf32>
    %mul3A_500 = arith.mulf %div3A_495, %mul3A_499 : vector<512x64xf32>
    %get3A_501 = arith.constant 0 : index
    %get3A_502 = arith.constant 0 : index
    %get3A_503 = vector.load %arg10[%get3A_501, %get3A_502] : memref<1x64xf32, #tpu.memory_space<vmem>>, vector<1x64xf32>
    %add3A_504 = vector.broadcast %get3A_503 : vector<1x64xf32> to vector<512x64xf32>
    %add3A_505 = arith.addf %mul3A_500, %add3A_504 : vector<512x64xf32>
    %swap3A = arith.constant 0 : index
    %swap3A_506 = arith.constant 0 : index
    %swap3A_507 = vector.load %arg11[%swap3A, %swap3A_506] : memref<512x64xf32, #tpu.memory_space<vmem>>, vector<512x64xf32>
    tpu.vector_store %arg11[%swap3A, %swap3A_506], %add3A_505 {strides = array<i32>} : memref<512x64xf32, #tpu.memory_space<vmem>>, vector<512x64xf32>,
    return
  }
  func.func @transform_0(%arg0: i32) -> (i32, i32, i32) {
    %c0_i32 = arith.constant 0 : i32
    %c0_i32_0 = arith.constant 0 : i32
    %c0_i32_1 = arith.constant 0 : i32
    return %c0_i32, %arg0, %c0_i32_0 : i32, i32, i32
  }
  func.func @transform_1(%arg0: i32) -> (i32, i32) {
    %c0_i32 = arith.constant 0 : i32
    %c0_i32_0 = arith.constant 0 : i32
    return %arg0, %c0_i32 : i32, i32
  }
  func.func @transform_2(%arg0: i32) -> (i32, i32) {
    %c0_i32 = arith.constant 0 : i32
    %c0_i32_0 = arith.constant 0 : i32
    %c0_i32_1 = arith.constant 0 : i32
    return %c0_i32, %c0_i32_0 : i32, i32
  }
  func.func @transform_3(%arg0: i32) -> (i32, i32) {
    %c0_i32 = arith.constant 0 : i32
    %c0_i32_0 = arith.constant 0 : i32
    %c0_i32_1 = arith.constant 0 : i32
    return %c0_i32, %c0_i32_0 : i32, i32
  }
  func.func @transform_4(%arg0: i32) -> (i32, i32) {
    %c0_i32 = arith.constant 0 : i32
    %c0_i32_0 = arith.constant 0 : i32
    %c0_i32_1 = arith.constant 0 : i32
    return %c0_i32, %c0_i32_0 : i32, i32
  }
  func.func @transform_5(%arg0: i32) -> (i32, i32) {
    %c0_i32 = arith.constant 0 : i32
    %c0_i32_0 = arith.constant 0 : i32
    %c0_i32_1 = arith.constant 0 : i32
    return %c0_i32, %c0_i32_0 : i32, i32
  }
  func.func @transform_6(%arg0: i32) -> (i32, i32) {
    %c0_i32 = arith.constant 0 : i32
    %c0_i32_0 = arith.constant 0 : i32
    %c0_i32_1 = arith.constant 0 : i32
    return %c0_i32, %c0_i32_0 : i32, i32
  }
  func.func @transform_7(%arg0: i32) -> (i32, i32) {
    %c0_i32 = arith.constant 0 : i32
    %c0_i32_0 = arith.constant 0 : i32
    %c0_i32_1 = arith.constant 0 : i32
    return %c0_i32, %c0_i32_0 : i32, i32
  }
  func.func @transform_8(%arg0: i32) -> (i32, i32) {
    %c0_i32 = arith.constant 0 : i32
    %c0_i32_0 = arith.constant 0 : i32
    %c0_i32_1 = arith.constant 0 : i32
    return %c0_i32, %c0_i32_0 : i32, i32
  }
  func.func @transform_9(%arg0: i32) -> (i32, i32) {
    %c0_i32 = arith.constant 0 : i32
    %c0_i32_0 = arith.constant 0 : i32
    %c0_i32_1 = arith.constant 0 : i32
    return %c0_i32, %c0_i32_0 : i32, i32
  }
  func.func @transform_10(%arg0: i32) -> (i32, i32) {
    %c0_i32 = arith.constant 0 : i32
    %c0_i32_0 = arith.constant 0 : i32
    return %arg0, %c0_i32 : i32, i32
  }
}

module attributes {stable_mosaic.version = 14 : i64} {
  func.func @_branch_body(%arg0: i32, %arg1: memref<1x12800xf32, #tpu.memory_space<vmem>>, %arg2: memref<12800x64xf32, #tpu.memory_space<vmem>>, %arg3: memref<1x64xf32, #tpu.memory_space<vmem>>, %arg4: memref<1x64xf32, #tpu.memory_space<vmem>>) attributes {dimension_semantics = [#tpu.dimension_semantics<arbitrary>], iteration_bounds = array<i64: 50>, scalar_prefetch = 0 : i64, scratch_operands = 0 : i64, tpu.core_type = #tpu.core_type<tc>, window_params = [{transform_indices = @transform_0, window_bounds = array<i64: 1, 12800>}, {transform_indices = @transform_1, window_bounds = array<i64: 12800, 64>}, {pipeline_mode = #tpu.pipeline_mode<synchronous>, transform_indices = @transform_2, window_bounds = array<i64: 1, 64>}, {pipeline_mode = #tpu.pipeline_mode<synchronous>, transform_indices = @transform_3, window_bounds = array<i64: 1, 64>}]} {
    %eq3A = arith.constant 0 : i32
    %eq3A_0 = arith.cmpi eq, %arg0, %eq3A : i32
    %convert_element_type3A = arith.extui %eq3A_0 : i1 to i32
    %cond3A = arith.constant 0 : i32
    %cond3A_1 = arith.cmpi ne, %convert_element_type3A, %cond3A : i32
    scf.if %cond3A_1 {
      %get3A_13 = arith.constant 0 : index
      %get3A_14 = arith.constant 0 : index
      %get3A_15 = vector.load %arg3[%get3A_13, %get3A_14] : memref<1x64xf32, #tpu.memory_space<vmem>>, vector<1x64xf32>
      %swap3A_16 = arith.constant 0 : index
      %swap3A_17 = arith.constant 0 : index
      %swap3A_18 = vector.load %arg4[%swap3A_16, %swap3A_17] : memref<1x64xf32, #tpu.memory_space<vmem>>, vector<1x64xf32>
      tpu.vector_store %arg4[%swap3A_16, %swap3A_17], %get3A_15 {strides = array<i32>} : memref<1x64xf32, #tpu.memory_space<vmem>>, vector<1x64xf32>,
    } else {
    }
    %get3A = arith.constant 0 : index
    %get3A_2 = arith.constant 0 : index
    %get3A_3 = vector.load %arg4[%get3A, %get3A_2] : memref<1x64xf32, #tpu.memory_space<vmem>>, vector<1x64xf32>
    %get3A_4 = arith.constant 0 : index
    %get3A_5 = arith.constant 0 : index
    %get3A_6 = vector.load %arg1[%get3A_4, %get3A_5] : memref<1x12800xf32, #tpu.memory_space<vmem>>, vector<1x12800xf32>
    %get3A_7 = arith.constant 0 : index
    %get3A_8 = arith.constant 0 : index
    %get3A_9 = vector.load %arg2[%get3A_7, %get3A_8] : memref<12800x64xf32, #tpu.memory_space<vmem>>, vector<12800x64xf32>
    %dot_general3A = arith.constant dense<0.000000e+00> : vector<1x64xf32>
    %dot_general3A_10 = tpu.matmul %get3A_6, %get3A_9, %dot_general3A {dimension_numbers = #tpu.dot_dimension_numbers<[1], [0], [0], [1], [0, 0, 1, 1], [], []>, transpose_lhs_hint = false} : vector<1x12800xf32>, vector<12800x64xf32>, vector<1x64xf32> -> vector<1x64xf32>
    %add3A = arith.addf %get3A_3, %dot_general3A_10 : vector<1x64xf32>
    %swap3A = arith.constant 0 : index
    %swap3A_11 = arith.constant 0 : index
    %swap3A_12 = vector.load %arg4[%swap3A, %swap3A_11] : memref<1x64xf32, #tpu.memory_space<vmem>>, vector<1x64xf32>
    tpu.vector_store %arg4[%swap3A, %swap3A_11], %add3A {strides = array<i32>} : memref<1x64xf32, #tpu.memory_space<vmem>>, vector<1x64xf32>,
    return
  }
  func.func @transform_0(%arg0: i32) -> (i32, i32) {
    %c0_i32 = arith.constant 0 : i32
    %c0_i32_0 = arith.constant 0 : i32
    return %c0_i32, %arg0 : i32, i32
  }
  func.func @transform_1(%arg0: i32) -> (i32, i32) {
    %c0_i32 = arith.constant 0 : i32
    %c0_i32_0 = arith.constant 0 : i32
    return %arg0, %c0_i32 : i32, i32
  }
  func.func @transform_2(%arg0: i32) -> (i32, i32) {
    %c0_i32 = arith.constant 0 : i32
    %c0_i32_0 = arith.constant 0 : i32
    %c0_i32_1 = arith.constant 0 : i32
    return %c0_i32, %c0_i32_0 : i32, i32
  }
  func.func @transform_3(%arg0: i32) -> (i32, i32) {
    %c0_i32 = arith.constant 0 : i32
    %c0_i32_0 = arith.constant 0 : i32
    %c0_i32_1 = arith.constant 0 : i32
    return %c0_i32, %c0_i32_0 : i32, i32
  }
}

module attributes {stable_mosaic.version = 14 : i64} {
  func.func @_final_body(%arg0: i32, %arg1: memref<512x192xf32, #tpu.memory_space<vmem>>, %arg2: memref<1x64xf32, #tpu.memory_space<vmem>>, %arg3: memref<1x128xf32, #tpu.memory_space<vmem>>, %arg4: memref<512x4xf32, #tpu.memory_space<vmem>>) attributes {dimension_semantics = [#tpu.dimension_semantics<arbitrary>], iteration_bounds = array<i64: 20>, scalar_prefetch = 0 : i64, scratch_operands = 0 : i64, tpu.core_type = #tpu.core_type<tc>, window_params = [{transform_indices = @transform_0, window_bounds = array<i64: 512, 192>}, {pipeline_mode = #tpu.pipeline_mode<synchronous>, transform_indices = @transform_1, window_bounds = array<i64: 1, 64>}, {pipeline_mode = #tpu.pipeline_mode<synchronous>, transform_indices = @transform_2, window_bounds = array<i64: 1, 128>}, {transform_indices = @transform_3, window_bounds = array<i64: 512, 4>}]} {
    %get3A = arith.constant 0 : index
    %get3A_0 = arith.constant 0 : index
    %get3A_1 = vector.load %arg1[%get3A, %get3A_0] : memref<512x192xf32, #tpu.memory_space<vmem>>, vector<512x192xf32>
    %get3A_2 = arith.constant 0 : index
    %get3A_3 = arith.constant 0 : index
    %get3A_4 = vector.load %arg2[%get3A_2, %get3A_3] : memref<1x64xf32, #tpu.memory_space<vmem>>, vector<1x64xf32>
    %mul3A = arith.constant 1.250000e-01 : f32
    %mul3A_5 = vector.broadcast %mul3A : f32 to vector<1x64xf32>
    %mul3A_6 = arith.mulf %get3A_4, %mul3A_5 : vector<1x64xf32>
    %slice3A = vector.extract_strided_slice %get3A_1 {offsets = [0, 0], sizes = [512, 64], strides = [1, 1]} : vector<512x192xf32> to vector<512x64xf32>
    %mul3A_7 = vector.broadcast %mul3A_6 : vector<1x64xf32> to vector<512x64xf32>
    %mul3A_8 = arith.mulf %slice3A, %mul3A_7 : vector<512x64xf32>
    %reduce_sum3A = arith.constant dense<0.000000e+00> : vector<512xf32>
    %reduce_sum3A_9 = vector.multi_reduction <add>, %mul3A_8, %reduce_sum3A [1] : vector<512x64xf32> to vector<512xf32>
    %broadcast_in_dim3A = vector.shape_cast %reduce_sum3A_9 : vector<512xf32> to vector<512x1xf32>
    %get3A_10 = arith.constant 0 : index
    %get3A_11 = arith.constant 0 : index
    %get3A_12 = vector.load %arg3[%get3A_10, %get3A_11] : memref<1x128xf32, #tpu.memory_space<vmem>>, vector<1x1xf32>
    %add3A = vector.broadcast %get3A_12 : vector<1x1xf32> to vector<512x1xf32>
    %add3A_13 = arith.addf %broadcast_in_dim3A, %add3A : vector<512x1xf32>
    %slice3A_14 = vector.extract_strided_slice %get3A_1 {offsets = [0, 64], sizes = [512, 64], strides = [1, 1]} : vector<512x192xf32> to vector<512x64xf32>
    %mul3A_15 = vector.broadcast %mul3A_6 : vector<1x64xf32> to vector<512x64xf32>
    %mul3A_16 = arith.mulf %slice3A_14, %mul3A_15 : vector<512x64xf32>
    %reduce_sum3A_17 = arith.constant dense<0.000000e+00> : vector<512xf32>
    %reduce_sum3A_18 = vector.multi_reduction <add>, %mul3A_16, %reduce_sum3A_17 [1] : vector<512x64xf32> to vector<512xf32>
    %broadcast_in_dim3A_19 = vector.shape_cast %reduce_sum3A_18 : vector<512xf32> to vector<512x1xf32>
    %get3A_20 = arith.constant 0 : index
    %get3A_21 = arith.constant 1 : index
    %get3A_22 = vector.load %arg3[%get3A_20, %get3A_21] : memref<1x128xf32, #tpu.memory_space<vmem>>, vector<1x1xf32>
    %add3A_23 = vector.broadcast %get3A_22 : vector<1x1xf32> to vector<512x1xf32>
    %add3A_24 = arith.addf %broadcast_in_dim3A_19, %add3A_23 : vector<512x1xf32>
    %slice3A_25 = vector.extract_strided_slice %get3A_1 {offsets = [0, 128], sizes = [512, 64], strides = [1, 1]} : vector<512x192xf32> to vector<512x64xf32>
    %mul3A_26 = vector.broadcast %mul3A_6 : vector<1x64xf32> to vector<512x64xf32>
    %mul3A_27 = arith.mulf %slice3A_25, %mul3A_26 : vector<512x64xf32>
    %reduce_sum3A_28 = arith.constant dense<0.000000e+00> : vector<512xf32>
    %reduce_sum3A_29 = vector.multi_reduction <add>, %mul3A_27, %reduce_sum3A_28 [1] : vector<512x64xf32> to vector<512xf32>
    %broadcast_in_dim3A_30 = vector.shape_cast %reduce_sum3A_29 : vector<512xf32> to vector<512x1xf32>
    %get3A_31 = arith.constant 0 : index
    %get3A_32 = arith.constant 2 : index
    %get3A_33 = vector.load %arg3[%get3A_31, %get3A_32] : memref<1x128xf32, #tpu.memory_space<vmem>>, vector<1x1xf32>
    %add3A_34 = vector.broadcast %get3A_33 : vector<1x1xf32> to vector<512x1xf32>
    %add3A_35 = arith.addf %broadcast_in_dim3A_30, %add3A_34 : vector<512x1xf32>
    %broadcast_in_dim3A_36 = arith.constant 0.000000e+00 : f32
    %broadcast_in_dim3A_37 = vector.broadcast %broadcast_in_dim3A_36 : f32 to vector<512x1xf32>
    %concatenate3A = tpu.concatenate %add3A_13, %add3A_24, %add3A_35, %broadcast_in_dim3A_37 in 1 : vector<512x1xf32>, vector<512x1xf32>, vector<512x1xf32>, vector<512x1xf32> -> vector<512x4xf32>
    %swap3A = arith.constant 0 : index
    %swap3A_38 = arith.constant 0 : index
    %swap3A_39 = vector.load %arg4[%swap3A, %swap3A_38] : memref<512x4xf32, #tpu.memory_space<vmem>>, vector<512x4xf32>
    tpu.vector_store %arg4[%swap3A, %swap3A_38], %concatenate3A {strides = array<i32>} : memref<512x4xf32, #tpu.memory_space<vmem>>, vector<512x4xf32>,
    return
  }
  func.func @transform_0(%arg0: i32) -> (i32, i32) {
    %c0_i32 = arith.constant 0 : i32
    %c0_i32_0 = arith.constant 0 : i32
    return %arg0, %c0_i32 : i32, i32
  }
  func.func @transform_1(%arg0: i32) -> (i32, i32) {
    %c0_i32 = arith.constant 0 : i32
    %c0_i32_0 = arith.constant 0 : i32
    %c0_i32_1 = arith.constant 0 : i32
    return %c0_i32, %c0_i32_0 : i32, i32
  }
  func.func @transform_2(%arg0: i32) -> (i32, i32) {
    %c0_i32 = arith.constant 0 : i32
    %c0_i32_0 = arith.constant 0 : i32
    %c0_i32_1 = arith.constant 0 : i32
    return %c0_i32, %c0_i32_0 : i32, i32
  }
  func.func @transform_3(%arg0: i32) -> (i32, i32) {
    %c0_i32 = arith.constant 0 : i32
    %c0_i32_0 = arith.constant 0 : i32
    return %arg0, %c0_i32 : i32, i32
  }
}

</mosaic_0001>

<sc_bundles>
// kernel: kernel.8.cloned.1.call-start
scs
__scs_entry_jumppad:
0x0: {  	(pc) =	sbr.rel $0x88, $3  }
0x1: {  	(tag) =	ssettag $0x0;
	lr =	simm.s32 $0x1  }
0x2: {  	[smem:$0x3F8C] =	sst lr;
	_ =	strace $0xD0000000  }
0x3: {  	_ = 	snop  }
0x4: {  	_ = 	snop  }
0x5: {  	_ = 	snop  }
0x6: {  	_ = 	snop  }
0x7: {  	_ = 	snop  }
__scs_overlays_trampoline_lowered:
0x8: {  	[smem:$0x3F9B] =	sst s0  }
0x9: {  	[smem:$0x3F9C] =	sst s1  }
0xa: {  	[smem:$0x3F9D] =	sst s2  }
0xb: {  	[smem:$0x3F9E] =	sst s3  }
0xc: {  	[smem:$0x3F9F] =	sst s4  }
0xd: {  	[smem:$0x3FA0] =	sst s5  }
0xe: {  	[smem:$0x3FA1] =	sst s6  }
0xf: {  	[smem:$0x3FA2] =	sst s7  }
0x10: {  	[smem:$0x3FA3] =	sst s8  }
0x11: {  	[smem:$0x3FA4] =	sst s9;
	s0 =	simm.s32 @!p0 $0x0  }
0x12: {  	s1 =	sld [smem:$0x3F8A];
	s0 =	simm.s32 @p0 $0x1  }
0x13: {  	[smem:$0x3FA5] =	sst s0;
	s0 =	simm.s32 @!p1 $0x0  }
0x14: {  	s2 =	sld [smem:$0x3F89];
	s0 =	simm.s32 @p1 $0x1  }
0x15: {  	[smem:$0x3FA6] =	sst s0;
	s0 =	simm.s32 @!p2 $0x0  }
0x16: {  	s3 =	sld [smem:$0x3FDB];
	s0 =	simm.s32 @p2 $0x1  }
0x17: {  	s4 =	simm.s32 $0x1BF5;
	[smem:$0x3FA8] =	sst s0  }
0x18: {  	s0 =	sld [smem:$0x3F8B];
	_ =	swait.ge [sflag:s4], $0x0  }
0x19: {  	s7 =	sld [smem:$0x3F8C]  }
0x1a: {  	s8 =	sadd.s32 $0xFFFFE003, lr  }
0x1b: {  	s9 =	sadd.s32 $0xFFFFFEF7, lr;
	s5 =	simm.s32 $0xFFFFFFFF;
	p2 =	slt.u32 s8, $0xFFFFF086  }
0x1c: {  	p1 =	slt.u32 s9, $0xF7A;
	s5 =	simm.s32 @!p2 $0x0  }
0x1d: {  	s5 =	simm.s32 @p1 $0x1;
	p0 =	seq.s32 s7, s2  }
0x1e: {  	s7 =	smul.u32 @!p0 $0xF7A, s2;
	p2 =	seq.s32 @!p0 s5, $0x0  }
0x1f: {  	s9 =	smul.u32 $0xF7A, s1;
	s8 =	simm.s32 @!p0 $0x1BF5;
	p2 =	por !p2, p0  }
0x20: {  	[sflag:s8] =	ssyncset.s32 @!p0 $0xFFFFF086;
	s6 =	sadd.s32 @!p0 s3, s7;
	s7 =	simm.s32 @!p0 $0x108  }
0x21: {  	s3 =	sadd.s32 s3, s9;
	s6 =	sadd.s32 @!p0 $0x88, s6;
	s7 =	simm.s32 @p2 $0x1082  }
0x22: {  	[simem:s7], [sflag:s8] =	dma.local @!p0 [hbm:s6], $0xF7A  }
0x23: {  	s9 =	sor.u32 $0xD0000000, s2;
	s6 =	simm.s32 $0x108;
	_ =	swait.ge @!p0 [sflag:s8], $0x0  }
0x24: {  	s3 =	sadd.s32 $0x88, s3;
	s6 =	simm.s32 @!p1 $0x1082;
	[sflag:s4] =	ssyncset.s32 $0xFFFFF086  }
0x25: {  	[simem:s6], [sflag:s4] =	dma.local [hbm:s3], $0xF7A  }
0x26: {  	[smem:$0x3F8C] =	sst s1;
	(tag) =	ssettag s2;
	_ =	strace s9  }
0x27: {  	s1 =	sld [smem:$0x3F9C]  }
0x28: {  	s2 =	sld [smem:$0x3F9D]  }
0x29: {  	s4 =	sld [smem:$0x3F9F]  }
0x2a: {  	p0 =	seq.s32 s5, $0x0;
	s5 =	sld [smem:$0x3FA0]  }
0x2b: {  	s6 =	sld [smem:$0x3FA1]  }
0x2c: {  	s7 =	sld [smem:$0x3FA2]  }
0x2d: {  	s3 =	simm.s32 $0x108;
	s8 =	sld [smem:$0x3FA3]  }
0x2e: {  	s3 =	simm.s32 @!p0 $0x1082;
	s9 =	sld [smem:$0x3FA4]  }
0x2f: {  	lr =	sadd.s32 s0, s3;
	s0 =	sld [smem:$0x3F9B]  }
0x30: {  	s3 =	sld [smem:$0x3F9E]  }
0x31: {  	[smem:$0x3FA7] =	sst s10  }
0x32: {  	s10 =	sld [smem:$0x3FA5];
	_ =	sdelay $0x3  }
0x33: {  	p0 =	seq.s32 s10, $0x1;
	s10 =	sld [smem:$0x3FA7];
	_ =	sdelay $0x3  }
0x34: {  	[smem:$0x3FA7] =	sst s10  }
0x35: {  	s10 =	sld [smem:$0x3FA6];
	_ =	sdelay $0x3  }
0x36: {  	p1 =	seq.s32 s10, $0x1;
	s10 =	sld [smem:$0x3FA7];
	_ =	sdelay $0x3  }
0x37: {  	[smem:$0x3FA7] =	sst s10  }
0x38: {  	s10 =	sld [smem:$0x3FA8]  }
0x39: {  	_ = 	snop;
	(pc) =	sbr.ind lr, $3  }
0x3a: {  	_ = 	snop  }
0x3b: {  	_ = 	snop  }
0x3c: {  	p2 =	seq.s32 s10, $0x1;
	s10 =	sld [smem:$0x3FA7]  }
0x3d: {  	_ =	shalt  }
0x3e: {  	_ =	shalt  }
0x3f: {  	_ =	shalt  }
0x40: {  	_ =	shalt  }
0x41: {  	_ =	shalt  }
0x42: {  	_ =	shalt  }
0x43: {  	_ =	shalt  }
0x44: {  	_ =	shalt  }
0x45: {  	_ =	shalt  }
0x46: {  	_ =	shalt  }
0x47: {  	_ =	shalt  }
0x48: {  	_ =	shalt  }
0x49: {  	_ =	shalt  }
0x4a: {  	_ =	shalt  }
0x4b: {  	_ =	shalt  }
0x4c: {  	_ =	shalt  }
0x4d: {  	_ =	shalt  }
0x4e: {  	_ =	shalt  }
0x4f: {  	_ =	shalt  }
0x50: {  	_ =	shalt  }
0x51: {  	_ =	shalt  }
0x52: {  	_ =	shalt  }
0x53: {  	_ =	shalt  }
0x54: {  	_ =	shalt  }
0x55: {  	_ =	shalt  }
0x56: {  	_ =	shalt  }
0x57: {  	_ =	shalt  }
0x58: {  	_ =	shalt  }
0x59: {  	_ =	shalt  }
0x5a: {  	_ =	shalt  }
0x5b: {  	_ =	shalt  }
0x5c: {  	_ =	shalt  }
0x5d: {  	_ =	shalt  }
0x5e: {  	_ =	shalt  }
0x5f: {  	_ =	shalt  }
0x60: {  	_ =	shalt  }
0x61: {  	_ =	shalt  }
0x62: {  	_ =	shalt  }
0x63: {  	_ =	shalt  }
0x64: {  	_ =	shalt  }
0x65: {  	_ =	shalt  }
0x66: {  	_ =	shalt  }
0x67: {  	_ =	shalt  }
0x68: {  	_ =	shalt  }
0x69: {  	_ =	shalt  }
0x6a: {  	_ =	shalt  }
0x6b: {  	_ =	shalt  }
0x6c: {  	_ =	shalt  }
0x6d: {  	_ =	shalt  }
0x6e: {  	_ =	shalt  }
0x6f: {  	_ =	shalt  }
0x70: {  	_ =	shalt  }
0x71: {  	_ =	shalt  }
0x72: {  	_ =	shalt  }
0x73: {  	_ =	shalt  }
0x74: {  	_ =	shalt  }
0x75: {  	_ =	shalt  }
0x76: {  	_ =	shalt  }
0x77: {  	_ =	shalt  }
0x78: {  	_ =	shalt  }
0x79: {  	_ =	shalt  }
0x7a: {  	_ =	shalt  }
0x7b: {  	_ =	shalt  }
0x7c: {  	_ =	shalt  }
0x7d: {  	_ =	shalt  }
0x7e: {  	_ =	shalt  }
0x7f: {  	_ =	shalt  }
0x80: {  	_ =	shalt  }
0x81: {  	_ =	shalt  }
0x82: {  	_ =	shalt  }
0x83: {  	_ =	shalt  }
0x84: {  	_ =	shalt  }
0x85: {  	_ =	shalt  }
0x86: {  	_ =	shalt  }
0x87: {  	_ =	shalt  }
.Lfunc_end0:
.L_simem_size_0:
called_computation_lowered:
.L_overlay_start_0:
0x88: {  	s2 =	sld [smem:$0x3FD9]  }
0x89: {  	s3 =	sld [smem:$0x3FFE];
	_ =	sdelay $0x1  }
0x8a: {  	s1 =	srdreg.scid  }
0x8b: {  	s0 =	sand.u32 $0x1, s1  }
0x8c: {  	s16 =	sshll.u32 s0, $0xA;
	s2 =	sadd.s32 s3, s2  }
0x8d: {  	s2 =	sadd.s32 s2, s16  }
0x8e: {  	[smem:$0x3FB3] =	sst s2  }
0x8f: {  	_ = 	snop  }
0x90: {  	(tm) =	ssettm $0x1  }
0x91: {  	s17 =	sld [smem:$0x3FFB];
	_ =	sdelay $0x3  }
0x92: {  	_ =	strace s17  }
0x93: {  	s2 =	sld [smem:$0x3FFC];
	_ =	sdelay $0x3  }
0x94: {  	_ =	strace s2  }
0x95: {  	s2 =	sld [smem:$0x3FFD];
	_ =	sdelay $0x3  }
0x96: {  	_ =	strace s2  }
0x97: {  	_ =	strace $0x8FFFFFFF  }
0x98: {  	s18 =	sld [smem:$0x3FDB];
	_ =	sdelay $0x1  }
0x99: {  	s19 =	simm.s32 $_scs_section_size  }
0x9a: {  	s4 =	simm.s32 $_size__tile_overlayer_lowered;
	s5 =	simm.s32 $_tile_overlayer_lowered  }
0x9b: {  	s22 =	simm.s32 $0x1BFF;
	s21 =	sshll.u32 s5, $0x1;
	s2 =	sadd.s32 s19, s18  }
0x9c: {  	s6 =	simm.s32 $0x0;
	s20 =	sshll.u32 s4, $0x1;
	s4 =	sadd.s32 s21, s2  }
0x9d: {  	[timem:s6], [sflag:s22] =	dma.local [hbm:s4], s20  }
0x9e: {  	_ =	swait.ge [sflag:s22], s20  }
0x9f: {  	s3 =	ssub.s32 $0x0, s20;
	[sflag:s22] =	ssyncset.done $0x0  }
0xa0: {  	[sflag:s22] =	ssyncadd.s32 s3;
	_ =	sdelay $0x1  }
0xa1: {  	s23 =	simm.s32 $0x1B8B  }
0xa2: {  	_ =	swait.ge [sflag:s23], $0x1  }
0xa3: {  	[sflag:s23] =	ssyncset.done $0x0  }
0xa4: {  	s25 =	simm.s32 $0x1B8E;
	s24 =	sld [smem:$0x3FFE];
	[sflag:s23] =	ssyncadd.s32 $0xFFFFFFFF  }
0xa5: {  	s26 =	simm.s32 $execute0_lowered;
	[smem:$0x3FD2] =	sst s25  }
0xa6: {  	s4 =	sshll.u32 s26, $0x1;
	_ =	strace $0x80000046;
	[dreg:$0x1] =	wrdreg $0xFFFFFFFF  }
0xa7: {  	s28 =	simm.s32 $_size_execute0_lowered;
	s2 =	sadd.s32 s2, s4;
	[dreg:$0x0] =	wrdreg $0x0  }
0xa8: {  	s4 =	sshll.u32 s28, $0x1;
	[dreg:$0x2] =	wrdreg s2  }
0xa9: {  	[dreg:$0x3] =	wrdreg s4  }
0xaa: {  	[dreg:$0x4] =	wrdreg $0xC0  }
0xab: {  	_ =	task [dreg:s6], $0x5FFFF  }
0xac: {  	[dreg:$0x1] =	wrdreg $0xFFFFFFFF  }
0xad: {  	[dreg:$0x0] =	wrdreg $0x60  }
0xae: {  	[dreg:$0x2] =	wrdreg s24  }
0xaf: {  	[dreg:$0x3] =	wrdreg $0x9  }
0xb0: {  	_ =	task.clear_ibuf [dreg:s6], $0x4FFFF;
	_ =	strace $0x90000046  }
0xb1: {  	s29 =	simm.s32 $0x9;
	_ =	strace $0x80000048  }
0xb2: {  	_ =	swait.ge [sflag:s29], $0x1  }
0xb3: {  	[sflag:s29] =	ssyncadd.s32 $0xFFFFFFFF  }
0xb4: {  	_ =	strace $0x90000048  }
0xb5: {  	_ =	sfence  }
0xb6: {  	s30 =	sld [smem:$0x0];
	_ =	sdelay $0x2  }
0xb7: {  	s31 =	sshll.u32 s1, $0xD;
	s1 =	sshrl.u32 s1, $0x2  }
0xb8: {  	s3 =	sand.u32 $0x4000, s31;
	s1 =	sadd.s32 s1, s30  }
0xb9: {  	s0 =	sor.u32 s3, s0;
	s1 =	sshll.u32 s1, $0x11  }
0xba: {  	s0 =	sor.u32 s1, s0  }
0xbb: {  	s0 =	sadd.s32 $0x8F2B, s0  }
0xbc: {  	[sflag:s0] =	ssyncadd.remote.s32 $0x1  }
0xbd: {  	_ =	sfence.sel $0xFFFF  }
0xbe: {  	[dreg:$0x0] =	wrdreg $0xFFFFFFFF;
	(pc) =	sbr.abs _section_cstart, $3  }
0xbf: {  	[dreg:$0x1] =	wrdreg $0xFFFFFFFF  }
0xc0: {  	_ =	task.clear_ibuf [dreg:s6], $0x2FFFF;
	_ =	strace $0x9FFFFFFF  }
0xc1: {  	(tm) =	ssettm $0x7FFFFFFF  }
tec
execute0_lowered:
.L_overlay_start_1:
0x0: {  	(tag) =	ssettag $0x1  }
0x1: {  	s4 =	rddreg [dreg:$0x0];
	s2 =	simm.s32 $0x0;
	s1 =	stileid.u32  }
0x2: {  	s3 =	srdreg.scid;
	s13 =	simm.s32 $0x100;
	s14 =	simm.s32 $0x180  }
0x3: {  	s15 =	simm.s32 $0x200;
	s16 =	simm.s32 $0x280;
	s17 =	simm.s32 $0x4280  }
0x4: {  	s18 =	simm.s32 $0x8280;
	s19 =	simm.s32 $0xC280;
	s20 =	simm.s32 $0x10280  }
0x5: {  	s21 =	simm.s32 $0x1;
	s22 =	simm.s32 $0x2;
	s5 =	smul.u32 $0x19000, s1  }
0x6: {  	s23 =	simm.s32 $0x0;
	s6 =	sand.u32 $0x1, s3;
	s7 =	smul.u32 $0x1900, s1  }
0x7: {  	[smem:$0x7FF] =	sst s2;
	s3 =	sadd.s32 $0x29E00, s4;
	s9 =	smul.u32 $0xC80, s6  }
0x8: {  	s10 =	sadd.s32 $0xA1E00, s4;
	s8 =	ssub.s32 $0x2, s6;
	s6 =	smul.u32 $0xC800, s6  }
0x9: {  	_ =	strace $0x80000047;
	s11 =	sshrl.u32 s8, $0x1;
	s5 =	sadd.s32 s5, s4  }
0xa: {  	s28 =	ssub.s32 s8, s11;
	s9 =	sadd.s32 s9, s7;
	s5 =	sadd.s32 s6, s5  }
0xb: {  	s4 =	smax.u32 s28, $0x1;
	s29 =	sadd.s32 $0x200, s9;
	s5 =	sadd.s32 $0xA5000, s5  }
0xc: {  	s7 =	sadd.s32 $0x180, s9;
	s30 =	sadd.s32 $0x100, s9;
	s31 =	sadd.s32 $0x80, s9  }
0xd: {  	s12 =	sshrl.u32 s9, $0x3;
	s6 =	sshrl.u32 s29, $0x3;
	s7 =	sshrl.u32 s7, $0x3  }
0xe: {  	s8 =	sshrl.u32 s30, $0x3;
	s11 =	sshrl.u32 s31, $0x3;
	s6 =	sadd.s32 s6, s10  }
0xf: {  	s7 =	sadd.s32 s7, s10;
	s8 =	sadd.s32 s8, s10;
	s9 =	sadd.s32 s11, s10  }
0x10: {  	s10 =	sadd.s32 s12, s10;
	s11 =	simm.s32 $0x3;
	s12 =	simm.s32 $0x80  }
.LBB2_1:
0x11: {  	[tilespmem:s2], [sflag:$0x3] =	stream.linear.gather [hbm4b:s10+s2], $0x80, $0x38;
	[tilespmem:$0x14280] =	vst v63  }
0x12: {  	_ =	swait.ge [sflag:s11], $0x80  }
0x13: {  	[sflag:s11] =	ssyncset.done $0x0  }
0x14: {  	[sflag:s11] =	ssyncadd.s32 $0xFFFFFF80  }
0x15: {  	[tilespmem:s12], [sflag:$0x3] =	stream.linear.gather [hbm4b:s9+s2], $0x80, $0x38;
	[tilespmem:$0x14280] =	vst v63  }
0x16: {  	_ =	swait.ge [sflag:s11], $0x80  }
0x17: {  	[sflag:s11] =	ssyncset.done $0x0  }
0x18: {  	[sflag:s11] =	ssyncadd.s32 $0xFFFFFF80  }
0x19: {  	[tilespmem:s13], [sflag:$0x3] =	stream.linear.gather [hbm4b:s8+s2], $0x80, $0x38;
	[tilespmem:$0x14280] =	vst v63  }
0x1a: {  	_ =	swait.ge [sflag:s11], $0x80  }
0x1b: {  	[sflag:s11] =	ssyncset.done $0x0  }
0x1c: {  	[sflag:s11] =	ssyncadd.s32 $0xFFFFFF80  }
0x1d: {  	[tilespmem:s14], [sflag:$0x3] =	stream.linear.gather [hbm4b:s7+s2], $0x80, $0x38;
	[tilespmem:$0x14280] =	vst v63  }
0x1e: {  	_ =	swait.ge [sflag:s11], $0x80  }
0x1f: {  	[sflag:s11] =	ssyncset.done $0x0  }
0x20: {  	[sflag:s11] =	ssyncadd.s32 $0xFFFFFF80  }
0x21: {  	[tilespmem:s15], [sflag:$0x3] =	stream.linear.gather [hbm4b:s6+s2], $0x80, $0x38;
	[tilespmem:$0x14280] =	vst v63  }
0x22: {  	_ =	swait.ge [sflag:s11], $0x80  }
0x23: {  	[sflag:s11] =	ssyncset.done $0x0  }
0x24: {  	[sflag:s11] =	ssyncadd.s32 $0xFFFFFF80  }
0x25: {  	[tilespmem:s16], [sflag:$0x1] =	stream.indirect.gather [hbm4b:s3+s12], $0x80, s2, s12, $0xb8;
	[tilespmem:$0x14280] =	vst v63  }
0x26: {  	_ = 	snop  }
0x27: {  	[tilespmem:s17], [sflag:$0x1] =	stream.indirect.gather [hbm4b:s3+s12], $0x80, s12, s12, $0xb8;
	[tilespmem:$0x14280] =	vst v63  }
0x28: {  	_ = 	snop  }
0x29: {  	[tilespmem:s18], [sflag:$0x1] =	stream.indirect.gather [hbm4b:s3+s12], $0x80, s13, s12, $0xb8;
	[tilespmem:$0x14280] =	vst v63  }
0x2a: {  	_ = 	snop  }
0x2b: {  	[tilespmem:s19], [sflag:$0x1] =	stream.indirect.gather [hbm4b:s3+s12], $0x80, s14, s12, $0xb8;
	[tilespmem:$0x14280] =	vst v63  }
0x2c: {  	_ = 	snop  }
0x2d: {  	[tilespmem:s20], [sflag:$0x1] =	stream.indirect.gather [hbm4b:s3+s12], $0x80, s15, s12, $0xb8;
	[tilespmem:$0x14280] =	vst v63  }
0x2e: {  	_ =	swait.ge [sflag:s21], $0x4000  }
0x2f: {  	[sflag:s21] =	ssyncset.done $0x0  }
0x30: {  	[sflag:s21] =	ssyncadd.s32 $0xFFFFC000  }
0x31: {  	_ =	swait.ge [sflag:s21], $0x4000  }
0x32: {  	[sflag:s21] =	ssyncset.done $0x0  }
0x33: {  	[sflag:s21] =	ssyncadd.s32 $0xFFFFC000  }
0x34: {  	_ =	swait.ge [sflag:s21], $0x4000  }
0x35: {  	[sflag:s21] =	ssyncset.done $0x0  }
0x36: {  	[sflag:s21] =	ssyncadd.s32 $0xFFFFC000  }
0x37: {  	_ =	swait.ge [sflag:s21], $0x4000  }
0x38: {  	[sflag:s21] =	ssyncset.done $0x0  }
0x39: {  	[sflag:s21] =	ssyncadd.s32 $0xFFFFC000  }
0x3a: {  	_ =	swait.ge [sflag:s21], $0x4000  }
0x3b: {  	[sflag:s21] =	ssyncset.done $0x0  }
0x3c: {  	s24 =	sadd.s32 $0x0, s5;
	[sflag:s21] =	ssyncadd.s32 $0xFFFFC000  }
0x3d: {  	[hbm4b:s24+s2] =	stream.linear.scatter [tilespmem:s16], [sflag:$0x2], $0x4000, $0x38;
	[tilespmem:$0x14280] =	vst v63  }
0x3e: {  	s25 =	sadd.s32 $0x800, s24  }
0x3f: {  	[hbm4b:s25+s2] =	stream.linear.scatter [tilespmem:s17], [sflag:$0x2], $0x4000, $0x38;
	[tilespmem:$0x14280] =	vst v63  }
0x40: {  	s26 =	sadd.s32 $0x1000, s24  }
0x41: {  	[hbm4b:s26+s2] =	stream.linear.scatter [tilespmem:s18], [sflag:$0x2], $0x4000, $0x38;
	[tilespmem:$0x14280] =	vst v63  }
0x42: {  	s31 =	sadd.s32 $0x1800, s24  }
0x43: {  	[hbm4b:s31+s2] =	stream.linear.scatter [tilespmem:s19], [sflag:$0x2], $0x4000, $0x38;
	[tilespmem:$0x14280] =	vst v63  }
0x44: {  	s24 =	sadd.s32 $0x2000, s24  }
0x45: {  	[hbm4b:s24+s2] =	stream.linear.scatter [tilespmem:s20], [sflag:$0x2], $0x4000, $0x38;
	[tilespmem:$0x14280] =	vst v63  }
0x46: {  	_ =	swait.ge [sflag:s22], $0x4000  }
0x47: {  	[sflag:s22] =	ssyncset.done $0x0  }
0x48: {  	[sflag:s22] =	ssyncadd.s32 $0xFFFFC000  }
0x49: {  	_ =	swait.ge [sflag:s22], $0x4000  }
0x4a: {  	[sflag:s22] =	ssyncset.done $0x0  }
0x4b: {  	[sflag:s22] =	ssyncadd.s32 $0xFFFFC000  }
0x4c: {  	_ =	swait.ge [sflag:s22], $0x4000  }
0x4d: {  	[sflag:s22] =	ssyncset.done $0x0  }
0x4e: {  	[sflag:s22] =	ssyncadd.s32 $0xFFFFC000  }
0x4f: {  	_ =	swait.ge [sflag:s22], $0x4000  }
0x50: {  	[sflag:s22] =	ssyncset.done $0x0  }
0x51: {  	s28 =	sadd.s32 $0x50, s9;
	s29 =	smov.u32 s6;
	[sflag:s22] =	ssyncadd.s32 $0xFFFFC000  }
0x52: {  	s30 =	smov.u32 s7;
	s25 =	sadd.s32 $0x50, s10;
	_ =	swait.ge [sflag:s22], $0x4000  }
0x53: {  	s26 =	sadd.s32 $0x50, s8;
	s24 =	simm.s32 $0x2800;
	[sflag:s22] =	ssyncset.done $0x0  }
.LBB2_2:
0x54: {  	[sflag:s22] =	ssyncadd.s32 $0xFFFFC000  }
0x55: {  	s29 =	sadd.s32 $0x50, s29;
	s30 =	sadd.s32 $0x50, s30;
	s31 =	smov.u32 s24  }
0x56: {  	[tilespmem:s2], [sflag:$0x3] =	stream.linear.gather [hbm4b:s25+s2], $0x80, $0x38;
	[tilespmem:$0x14280] =	vst v63  }
0x57: {  	p0 =	sne.s32 s24, $0xA000;
	s24 =	sadd.s32 $0x2800, s24;
	_ =	swait.ge [sflag:s11], $0x80  }
0x58: {  	[sflag:s11] =	ssyncset.done $0x0  }
0x59: {  	[sflag:s11] =	ssyncadd.s32 $0xFFFFFF80  }
0x5a: {  	[tilespmem:s12], [sflag:$0x3] =	stream.linear.gather [hbm4b:s28+s2], $0x80, $0x38;
	[tilespmem:$0x14280] =	vst v63  }
0x5b: {  	_ =	swait.ge [sflag:s11], $0x80  }
0x5c: {  	[sflag:s11] =	ssyncset.done $0x0  }
0x5d: {  	[sflag:s11] =	ssyncadd.s32 $0xFFFFFF80  }
0x5e: {  	[tilespmem:s13], [sflag:$0x3] =	stream.linear.gather [hbm4b:s26+s2], $0x80, $0x38;
	[tilespmem:$0x14280] =	vst v63  }
0x5f: {  	_ =	swait.ge [sflag:s11], $0x80  }
0x60: {  	[sflag:s11] =	ssyncset.done $0x0  }
0x61: {  	[sflag:s11] =	ssyncadd.s32 $0xFFFFFF80  }
0x62: {  	[tilespmem:s14], [sflag:$0x3] =	stream.linear.gather [hbm4b:s30+s2], $0x80, $0x38;
	[tilespmem:$0x14280] =	vst v63  }
0x63: {  	_ =	swait.ge [sflag:s11], $0x80  }
0x64: {  	[sflag:s11] =	ssyncset.done $0x0  }
0x65: {  	[sflag:s11] =	ssyncadd.s32 $0xFFFFFF80  }
0x66: {  	[tilespmem:s15], [sflag:$0x3] =	stream.linear.gather [hbm4b:s29+s2], $0x80, $0x38;
	[tilespmem:$0x14280] =	vst v63  }
0x67: {  	_ =	swait.ge [sflag:s11], $0x80  }
0x68: {  	[sflag:s11] =	ssyncset.done $0x0  }
0x69: {  	[sflag:s11] =	ssyncadd.s32 $0xFFFFFF80  }
0x6a: {  	[tilespmem:s16], [sflag:$0x1] =	stream.indirect.gather [hbm4b:s3+s12], $0x80, s2, s12, $0xb8;
	[tilespmem:$0x14280] =	vst v63  }
0x6b: {  	_ = 	snop  }
0x6c: {  	[tilespmem:s17], [sflag:$0x1] =	stream.indirect.gather [hbm4b:s3+s12], $0x80, s12, s12, $0xb8;
	[tilespmem:$0x14280] =	vst v63  }
0x6d: {  	_ = 	snop  }
0x6e: {  	[tilespmem:s18], [sflag:$0x1] =	stream.indirect.gather [hbm4b:s3+s12], $0x80, s13, s12, $0xb8;
	[tilespmem:$0x14280] =	vst v63  }
0x6f: {  	_ = 	snop  }
0x70: {  	[tilespmem:s19], [sflag:$0x1] =	stream.indirect.gather [hbm4b:s3+s12], $0x80, s14, s12, $0xb8;
	[tilespmem:$0x14280] =	vst v63  }
0x71: {  	_ = 	snop  }
0x72: {  	[tilespmem:s20], [sflag:$0x1] =	stream.indirect.gather [hbm4b:s3+s12], $0x80, s15, s12, $0xb8;
	[tilespmem:$0x14280] =	vst v63  }
0x73: {  	_ =	swait.ge [sflag:s21], $0x4000  }
0x74: {  	[sflag:s21] =	ssyncset.done $0x0  }
0x75: {  	[sflag:s21] =	ssyncadd.s32 $0xFFFFC000  }
0x76: {  	_ =	swait.ge [sflag:s21], $0x4000  }
0x77: {  	[sflag:s21] =	ssyncset.done $0x0  }
0x78: {  	[sflag:s21] =	ssyncadd.s32 $0xFFFFC000  }
0x79: {  	_ =	swait.ge [sflag:s21], $0x4000  }
0x7a: {  	[sflag:s21] =	ssyncset.done $0x0  }
0x7b: {  	[sflag:s21] =	ssyncadd.s32 $0xFFFFC000  }
0x7c: {  	_ =	swait.ge [sflag:s21], $0x4000  }
0x7d: {  	[sflag:s21] =	ssyncset.done $0x0  }
0x7e: {  	[sflag:s21] =	ssyncadd.s32 $0xFFFFC000  }
0x7f: {  	_ =	swait.ge [sflag:s21], $0x4000  }
0x80: {  	[sflag:s21] =	ssyncset.done $0x0  }
0x81: {  	s31 =	sadd.s32 s31, s5;
	[sflag:s21] =	ssyncadd.s32 $0xFFFFC000  }
0x82: {  	[hbm4b:s31+s2] =	stream.linear.scatter [tilespmem:s16], [sflag:$0x2], $0x4000, $0x38;
	[tilespmem:$0x14280] =	vst v63  }
0x83: {  	s0 =	sadd.s32 $0x800, s31  }
0x84: {  	[hbm4b:s0+s2] =	stream.linear.scatter [tilespmem:s17], [sflag:$0x2], $0x4000, $0x38;
	[tilespmem:$0x14280] =	vst v63  }
0x85: {  	s0 =	sadd.s32 $0x1000, s31  }
0x86: {  	[hbm4b:s0+s2] =	stream.linear.scatter [tilespmem:s18], [sflag:$0x2], $0x4000, $0x38;
	[tilespmem:$0x14280] =	vst v63  }
0x87: {  	s0 =	sadd.s32 $0x1800, s31  }
0x88: {  	[hbm4b:s0+s2] =	stream.linear.scatter [tilespmem:s19], [sflag:$0x2], $0x4000, $0x38;
	[tilespmem:$0x14280] =	vst v63  }
0x89: {  	s0 =	sadd.s32 $0x2000, s31  }
0x8a: {  	[hbm4b:s0+s2] =	stream.linear.scatter [tilespmem:s20], [sflag:$0x2], $0x4000, $0x38;
	[tilespmem:$0x14280] =	vst v63  }
0x8b: {  	_ =	swait.ge [sflag:s22], $0x4000  }
0x8c: {  	[sflag:s22] =	ssyncset.done $0x0  }
0x8d: {  	[sflag:s22] =	ssyncadd.s32 $0xFFFFC000  }
0x8e: {  	_ =	swait.ge [sflag:s22], $0x4000  }
0x8f: {  	[sflag:s22] =	ssyncset.done $0x0  }
0x90: {  	[sflag:s22] =	ssyncadd.s32 $0xFFFFC000  }
0x91: {  	_ =	swait.ge [sflag:s22], $0x4000  }
0x92: {  	[sflag:s22] =	ssyncset.done $0x0  }
0x93: {  	[sflag:s22] =	ssyncadd.s32 $0xFFFFC000  }
.Ltmp0:
0x94: {  	_ =	swait.ge [sflag:s22], $0x4000;
	(pc) =	sbr.rel @p0 .LBB2_2-.Ltmp0, $4  }
0x95: {  	[sflag:s22] =	ssyncset.done $0x0  }
0x96: {  	[sflag:s22] =	ssyncadd.s32 $0xFFFFC000  }
0x97: {  	s25 =	sadd.s32 $0x50, s25;
	_ =	swait.ge [sflag:s22], $0x4000  }
0x98: {  	s28 =	sadd.s32 $0x50, s28;
	s26 =	sadd.s32 $0x50, s26;
	[sflag:s22] =	ssyncset.done $0x0  }
0x99: {  	s23 =	sadd.s32 $0x1, s23  }
0x9a: {  	p0 =	sne.s32 s23, s4  }
.Ltmp1:
0x9b: {  	_ = 	snop;
	(pc) =	sbr.rel @p0 .LBB2_1-.Ltmp1, $2  }
0x9c: {  	_ =	sdelay $0x2  }
0x9d: {  	[sflag:s22] =	ssyncadd.s32 $0xFFFFC000  }
0x9e: {  	_ =	sfence.sel $0x180000  }
0x9f: {  	[bflag:$0x0] =	sbarrier.arrive $0xFFFF  }
0xa0: {  	_ =	strace $0x90000047  }
0xa1: {  	[bflag:$0x2] =	sbarrier.arrive $0xFFFF  }
0xa2: {  	p0 =	sne.s32 s1, $0x0;
	s0 =	rddreg [dreg:$0x1]  }
0xa3: {  	s0 =	sadd.s32 @!p0 $0x100000, s0  }
0xa4: {  	[sflag:s0] =	ssyncadd.tile.s32 @!p0 $0x1;
	_ =	shalt  }
.Lfunc_end2:
_tile_overlayer_lowered:
.L_overlay_start_2:
0xa5: {  	(tag) =	ssettag $0x2  }
0xa6: {  	s0 =	rddreg [dreg:$0x0];
	s2 =	stileid.u32  }
0xa7: {  	s1 =	rddreg [dreg:$0x1];
	p0 =	sne.s32 s2, $0x0  }
0xa8: {  	s3 =	rddreg [dreg:$0x2];
	[bflag:$0x3] =	sbarrier.arrive $0xFFFF;
	s2 =	simm.s32 @!p0 $0x1C03  }
0xa9: {  	[timem:s3], [sflag:s2] =	dma.local @!p0 [hbm:s0], s1  }
0xaa: {  	s0 =	simm.s32 @!p0 $0x3  }
0xab: {  	_ =	swait.ge @!p0 [sflag:s0], s1  }
0xac: {  	s1 =	ssub.s32 @!p0 $0x0, s1;
	[sflag:s0] =	ssyncset.done @!p0 $0x0  }
0xad: {  	[sflag:s0] =	ssyncadd.s32 @!p0 s1  }
0xae: {  	[bflag:$0x3] =	sbarrier.arrive $0xFFFF  }
0xaf: {  	_ =	shalt  }

</sc_bundles>
